<compile_context>
chip_gen: v7x
topology: tpu7x:2x2x1
jax: 0.10.2.dev20260603
libtpu: 0.0.44.dev20260713+nightly
codegen_flags: <defaults>
</compile_context>

<pallas_src>
import jax
import jax.numpy as jnp
from jax import lax
from jax.experimental import pallas as pl
from jax.experimental.pallas import tpu as pltpu
from jax.experimental.pallas import tpu_sc as plsc

B = 4
T = 4096
D = 1024
L = 16

NC = 2
NS = 16
NW = NC * NS
ROWS = B * T
TW = T // NW
CT = 16
NCT = TW // CT
NSTEP = NCT * B
NTB = 4
SB = 8
NSB = NSTEP // SB


def _body(idx_hbm, tok_hbm, pos_hbm, out_hbm,
          idx_v, tb0, tb1, tb2, tb3, pb0, pb1,
          sg0, sg1, sg2, sg3, ss0, ss1, ss2, ss3, sp0, sp1):
    cid = lax.axis_index("c")
    sid = lax.axis_index("s")
    wid = sid * NC + cid
    t0 = wid * TW
    pltpu.sync_copy(idx_hbm.at[wid], idx_v)

    tbufs = (tb0, tb1, tb2, tb3)
    pbufs = (pb0, pb1)
    gsems = (sg0, sg1, sg2, sg3)
    ssems = (ss0, ss1, ss2, ss3)
    psems = (sp0, sp1)

    def gather(tc, b, i):
        return pltpu.async_copy(tok_hbm.at[idx_v.at[tc, b]],
                                tbufs[i], gsems[i])

    def pos_load(tc, i):
        off = t0 + jnp.minimum(tc, NCT - 1) * CT
        return pltpu.async_copy(pos_hbm.at[pl.ds(off, CT)], pbufs[i],
                                psems[i])

    def store(tc, b, i):
        row = b * T + t0 + tc * CT
        return pltpu.async_copy(tbufs[i], out_hbm.at[pl.ds(row, CT)],
                                ssems[i])

    def wait_gather(i):
        pltpu.make_async_copy(pos_hbm.at[pl.ds(t0, CT)], tbufs[i],
                              gsems[i]).wait()

    def wait_pos(i):
        pltpu.make_async_copy(pos_hbm.at[pl.ds(t0, CT)], pbufs[i],
                              psems[i]).wait()

    def wait_store(i):
        pltpu.make_async_copy(tbufs[i], out_hbm.at[pl.ds(t0, CT)],
                              ssems[i]).wait()

    gather(0, 0, 0)
    gather(0, 1, 1)
    pos_load(0, 0)
    pos_load(1, 1)
    store(0, 2, 2)
    store(0, 3, 3)

    def superblock(sb, carry):
        tc0 = sb * 2
        for u in range(SB):
            b = u % 4
            half = u // 4
            tc = tc0 + half
            i = u % NTB
            if u == 0:
                wait_pos(0)
            if u == 4:
                wait_pos(1)
                pos_load(tc0 + 2, 0)
            wait_store((u + 2) % NTB)
            tc2 = jnp.minimum(tc0 + (u + 2) // 4, NCT - 1)
            gather(tc2, (u + 2) % 4, (u + 2) % NTB)
            wait_gather(i)

            @plsc.parallel_loop(0, CT * D // L, 1, unroll=8)
            def add_slice(q, buf=tbufs[i], pbuf=pbufs[half]):
                r = q // (D // L)
                col = (q % (D // L)) * L
                plsc.addupdate(buf.at[r, pl.ds(col, L)],
                               pbuf[r, pl.ds(col, L)])

            store(tc, b, i)
        pos_load(tc0 + 3, 1)
        return carry

    lax.fori_loop(0, NSB, superblock, 0)
    for i in (0, 1):
        wait_gather(i)
        wait_pos(i)
    wait_store(2)
    wait_store(3)


@jax.jit
def _embed(idx4, token_table, pos_table):
    mesh = plsc.VectorSubcoreMesh(core_axis_name="c", subcore_axis_name="s")
    f = pl.kernel(
        _body,
        out_type=jax.ShapeDtypeStruct((ROWS, D), jnp.float32),
        mesh=mesh,
        scratch_types=[
            pltpu.VMEM((NCT, B, CT), jnp.int32),
            pltpu.VMEM((CT, D), jnp.float32),
            pltpu.VMEM((CT, D), jnp.float32),
            pltpu.VMEM((CT, D), jnp.float32),
            pltpu.VMEM((CT, D), jnp.float32),
            pltpu.VMEM((CT, D), jnp.float32),
            pltpu.VMEM((CT, D), jnp.float32),
        ] + [pltpu.SemaphoreType.DMA] * 10,
    )
    return f(idx4, token_table, pos_table)


def kernel(idx, token_table, pos_table):
    idx4 = idx.reshape(B, NW, NCT, CT).transpose(1, 2, 0, 3)
    out = _embed(idx4, token_table, pos_table)
    return out.reshape(B, T, D)

# --- scband reference (transcript-rebuilt; emitter-appended) ---
"""Pipeline reference for scband-starter-node-31782757990526 (READ-ONLY COPY).

The authoritative reference and input builder live on the scoring server;
editing this copy changes nothing except your own understanding.
"""

import jax, jax.numpy as jnp
import numpy as np

VOCAB = 50304
BLOCK = 4096
N_EMBD = 1024
B = 4
T = 4096

def setup_inputs(seed: int = 0) -> dict:
    key = jax.random.key(seed)
    k1, k2, k3 = jax.random.split(key, 3)
    idx = jax.random.randint(k1, (B, T), 0, VOCAB, dtype=jnp.int64 if jax.config.jax_enable_x64 else jnp.int32).astype(jnp.int32)
    token_table = jax.random.normal(k2, (VOCAB, N_EMBD), dtype=jnp.float32) * 0.02
    pos_table = jax.random.normal(k3, (BLOCK, N_EMBD), dtype=jnp.float32) * 0.02
    return {"idx": idx, "token_table": token_table, "pos_table": pos_table}

def reference(idx, token_table, pos_table):
    # tok_emb = token_embedding(idx)
    tok_emb = jnp.take(token_table, idx, axis=0)  # [B, T, n_embd]
    t = idx.shape[1]
    # pos_emb = position_embedding(arange(t))
    pos_emb = jnp.take(pos_table, jnp.arange(t), axis=0)  # [T, n_embd]
    # dropout p=0.0 -> identity
    x = tok_emb + pos_emb[None, :, :]
    return x

if __name__ == "__main__":
    import jax
    _d = setup_inputs()
    print(jax.jit(kernel)(*tuple(_d.values())))

</pallas_src>

<mosaic_0001>
#map = affine_map<(d0, d1) -> (0, 0, 0, 0)>
#map1 = affine_map<(d0, d1) -> (0, 0)>
module attributes {stable_mosaic.version = 14 : i64} {
  func.func @_body(%arg0: i32, %arg1: i32, %arg2: memref<32x8x4x16xi32, #tpu.memory_space<hbm>>, %arg3: memref<50304x1024xf32, #tpu.memory_space<hbm>>, %arg4: memref<4096x1024xf32, #tpu.memory_space<hbm>>, %arg5: memref<16384x1024xf32, #tpu.memory_space<hbm>>, %arg6: memref<8x4x16xi32, #tpu.memory_space<vmem>>, %arg7: memref<16x1024xf32, #tpu.memory_space<vmem>>, %arg8: memref<16x1024xf32, #tpu.memory_space<vmem>>, %arg9: memref<16x1024xf32, #tpu.memory_space<vmem>>, %arg10: memref<16x1024xf32, #tpu.memory_space<vmem>>, %arg11: memref<16x1024xf32, #tpu.memory_space<vmem>>, %arg12: memref<16x1024xf32, #tpu.memory_space<vmem>>, %arg13: memref<!tpu.dma_semaphore, #tpu.memory_space<semaphore_mem>>, %arg14: memref<!tpu.dma_semaphore, #tpu.memory_space<semaphore_mem>>, %arg15: memref<!tpu.dma_semaphore, #tpu.memory_space<semaphore_mem>>, %arg16: memref<!tpu.dma_semaphore, #tpu.memory_space<semaphore_mem>>, %arg17: memref<!tpu.dma_semaphore, #tpu.memory_space<semaphore_mem>>, %arg18: memref<!tpu.dma_semaphore, #tpu.memory_space<semaphore_mem>>, %arg19: memref<!tpu.dma_semaphore, #tpu.memory_space<semaphore_mem>>, %arg20: memref<!tpu.dma_semaphore, #tpu.memory_space<semaphore_mem>>, %arg21: memref<!tpu.dma_semaphore, #tpu.memory_space<semaphore_mem>>, %arg22: memref<!tpu.dma_semaphore, #tpu.memory_space<semaphore_mem>>) attributes {dimension_semantics = [#tpu.dimension_semantics<core_parallel>, #tpu.dimension_semantics<subcore_parallel>], iteration_bounds = array<i64: 2, 16>, scalar_prefetch = 0 : i64, scratch_operands = 17 : i64, tpu.core_type = #tpu.core_type<sc_vector_subcore>, window_params = [{transform_indices = #map}, {transform_indices = #map1}, {transform_indices = #map1}, {transform_indices = #map1}]} {
    %mul3A = arith.constant 2 : i32
    %mul3A_0 = arith.muli %arg1, %mul3A : i32
    %add3A = arith.addi %mul3A_0, %arg0 : i32
    %mul3A_1 = arith.constant 128 : i32
    %mul3A_2 = arith.muli %add3A, %mul3A_1 : i32
    "tpu.region"() ({
      %run_scoped3A = tpu.sem_alloc : memref<!tpu.dma_semaphore, #tpu.memory_space<semaphore_mem>>
      %dma_start3A_81 = arith.constant 0 : i32
      %dma_start3A_82 = arith.constant 0 : i32
      %dma_start3A_83 = arith.constant 0 : i32
      %dma_start3A_84 = tpu.memref_slice %arg2[%add3A, %dma_start3A_81, %dma_start3A_82, %dma_start3A_83] : memref<32x8x4x16xi32, #tpu.memory_space<hbm>> -> memref<1x8x4x16xi32, #tpu.memory_space<hbm>>
      %dma_start3A_85 = tpu.memref_squeeze %dma_start3A_84 : memref<1x8x4x16xi32, #tpu.memory_space<hbm>> -> memref<8x4x16xi32, #tpu.memory_space<hbm>>
      %dma_start3A_86 = arith.constant 0 : i32
      %dma_start3A_87 = arith.constant 0 : i32
      %dma_start3A_88 = arith.constant 0 : i32
      %dma_start3A_89 = tpu.memref_slice %arg2[%add3A, %dma_start3A_86, %dma_start3A_87, %dma_start3A_88] : memref<32x8x4x16xi32, #tpu.memory_space<hbm>> -> memref<1x8x4x16xi32, #tpu.memory_space<hbm>>
      %dma_start3A_90 = tpu.memref_squeeze %dma_start3A_89 : memref<1x8x4x16xi32, #tpu.memory_space<hbm>> -> memref<8x4x16xi32, #tpu.memory_space<hbm>>
      tpu.enqueue_dma source(%dma_start3A_90 : memref<8x4x16xi32, #tpu.memory_space<hbm>>) target(%arg6 : memref<8x4x16xi32, #tpu.memory_space<vmem>>) target_semaphore(%run_scoped3A : memref<!tpu.dma_semaphore, #tpu.memory_space<semaphore_mem>>)
      %dma_wait3A_91 = arith.constant 0 : i32
      %dma_wait3A_92 = arith.constant 0 : i32
      %dma_wait3A_93 = arith.constant 0 : i32
      %dma_wait3A_94 = tpu.memref_slice %arg2[%add3A, %dma_wait3A_91, %dma_wait3A_92, %dma_wait3A_93] : memref<32x8x4x16xi32, #tpu.memory_space<hbm>> -> memref<1x8x4x16xi32, #tpu.memory_space<hbm>>
      %dma_wait3A_95 = tpu.memref_squeeze %dma_wait3A_94 : memref<1x8x4x16xi32, #tpu.memory_space<hbm>> -> memref<8x4x16xi32, #tpu.memory_space<hbm>>
      %dma_wait3A_96 = arith.constant 0 : i32
      %dma_wait3A_97 = arith.constant 0 : i32
      %dma_wait3A_98 = arith.constant 0 : i32
      %dma_wait3A_99 = tpu.memref_slice %arg2[%add3A, %dma_wait3A_96, %dma_wait3A_97, %dma_wait3A_98] : memref<32x8x4x16xi32, #tpu.memory_space<hbm>> -> memref<1x8x4x16xi32, #tpu.memory_space<hbm>>
      %dma_wait3A_100 = tpu.memref_squeeze %dma_wait3A_99 : memref<1x8x4x16xi32, #tpu.memory_space<hbm>> -> memref<8x4x16xi32, #tpu.memory_space<hbm>>
      tpu.wait_dma2 semaphore(%run_scoped3A : memref<!tpu.dma_semaphore, #tpu.memory_space<semaphore_mem>>) src(%dma_wait3A_100 : memref<8x4x16xi32, #tpu.memory_space<hbm>>) dst(%arg6 : memref<8x4x16xi32, #tpu.memory_space<vmem>>)
      tpu.yield
    }) : () -> ()
    %dma_start3A = arith.constant 0 : i32
    %dma_start3A_3 = arith.constant 0 : i32
    %dma_start3A_4 = arith.constant 0 : i32
    %dma_start3A_5 = tpu.memref_slice %arg6[%dma_start3A, %dma_start3A_3, %dma_start3A_4] : memref<8x4x16xi32, #tpu.memory_space<vmem>> -> memref<1x1x16xi32, #tpu.memory_space<vmem>>
    %dma_start3A_6 = tpu.memref_squeeze %dma_start3A_5 : memref<1x1x16xi32, #tpu.memory_space<vmem>> -> memref<16xi32, #tpu.memory_space<vmem>>
    %dma_start3A_7 = arith.constant 0 : i32
    %dma_start3A_8 = arith.constant 0 : i32
    %dma_start3A_9 = tpu.memref_slice %arg3[%dma_start3A_7, %dma_start3A_8] : memref<50304x1024xf32, #tpu.memory_space<hbm>> -> memref<50304x1024xf32, #tpu.memory_space<hbm>>
    tpu.enqueue_indirect_dma source(%dma_start3A_9 : memref<50304x1024xf32, #tpu.memory_space<hbm>>) target(%arg7 : memref<16x1024xf32, #tpu.memory_space<vmem>>) offsets(%dma_start3A_6 : memref<16xi32, #tpu.memory_space<vmem>>) semaphore(%arg13 : memref<!tpu.dma_semaphore, #tpu.memory_space<semaphore_mem>>)
    %dma_start3A_10 = arith.constant 0 : i32
    %dma_start3A_11 = arith.constant 1 : i32
    %dma_start3A_12 = arith.constant 0 : i32
    %dma_start3A_13 = tpu.memref_slice %arg6[%dma_start3A_10, %dma_start3A_11, %dma_start3A_12] : memref<8x4x16xi32, #tpu.memory_space<vmem>> -> memref<1x1x16xi32, #tpu.memory_space<vmem>>
    %dma_start3A_14 = tpu.memref_squeeze %dma_start3A_13 : memref<1x1x16xi32, #tpu.memory_space<vmem>> -> memref<16xi32, #tpu.memory_space<vmem>>
    %dma_start3A_15 = arith.constant 0 : i32
    %dma_start3A_16 = arith.constant 0 : i32
    %dma_start3A_17 = tpu.memref_slice %arg3[%dma_start3A_15, %dma_start3A_16] : memref<50304x1024xf32, #tpu.memory_space<hbm>> -> memref<50304x1024xf32, #tpu.memory_space<hbm>>
    tpu.enqueue_indirect_dma source(%dma_start3A_17 : memref<50304x1024xf32, #tpu.memory_space<hbm>>) target(%arg8 : memref<16x1024xf32, #tpu.memory_space<vmem>>) offsets(%dma_start3A_14 : memref<16xi32, #tpu.memory_space<vmem>>) semaphore(%arg14 : memref<!tpu.dma_semaphore, #tpu.memory_space<semaphore_mem>>)
    %min3A = arith.constant 0 : i32
    %min3A_18 = arith.constant 7 : i32
    %min3A_19 = arith.minsi %min3A, %min3A_18 : i32
    %mul3A_20 = arith.constant 16 : i32
    %mul3A_21 = arith.muli %min3A_19, %mul3A_20 : i32
    %add3A_22 = arith.addi %mul3A_2, %mul3A_21 : i32
    %dma_start3A_23 = arith.constant 0 : i32
    %dma_start3A_24 = tpu.memref_slice %arg4[%add3A_22, %dma_start3A_23] : memref<4096x1024xf32, #tpu.memory_space<hbm>> -> memref<16x1024xf32, #tpu.memory_space<hbm>>
    %dma_start3A_25 = arith.constant 0 : i32
    %dma_start3A_26 = tpu.memref_slice %arg4[%add3A_22, %dma_start3A_25] : memref<4096x1024xf32, #tpu.memory_space<hbm>> -> memref<16x1024xf32, #tpu.memory_space<hbm>>
    tpu.enqueue_dma source(%dma_start3A_26 : memref<16x1024xf32, #tpu.memory_space<hbm>>) target(%arg11 : memref<16x1024xf32, #tpu.memory_space<vmem>>) target_semaphore(%arg21 : memref<!tpu.dma_semaphore, #tpu.memory_space<semaphore_mem>>)
    %min3A_27 = arith.constant 1 : i32
    %min3A_28 = arith.constant 7 : i32
    %min3A_29 = arith.minsi %min3A_27, %min3A_28 : i32
    %mul3A_30 = arith.constant 16 : i32
    %mul3A_31 = arith.muli %min3A_29, %mul3A_30 : i32
    %add3A_32 = arith.addi %mul3A_2, %mul3A_31 : i32
    %dma_start3A_33 = arith.constant 0 : i32
    %dma_start3A_34 = tpu.memref_slice %arg4[%add3A_32, %dma_start3A_33] : memref<4096x1024xf32, #tpu.memory_space<hbm>> -> memref<16x1024xf32, #tpu.memory_space<hbm>>
    %dma_start3A_35 = arith.constant 0 : i32
    %dma_start3A_36 = tpu.memref_slice %arg4[%add3A_32, %dma_start3A_35] : memref<4096x1024xf32, #tpu.memory_space<hbm>> -> memref<16x1024xf32, #tpu.memory_space<hbm>>
    tpu.enqueue_dma source(%dma_start3A_36 : memref<16x1024xf32, #tpu.memory_space<hbm>>) target(%arg12 : memref<16x1024xf32, #tpu.memory_space<vmem>>) target_semaphore(%arg22 : memref<!tpu.dma_semaphore, #tpu.memory_space<semaphore_mem>>)
    %add3A_37 = arith.constant 8192 : i32
    %add3A_38 = arith.addi %add3A_37, %mul3A_2 : i32
    %add3A_39 = arith.constant 0 : i32
    %add3A_40 = arith.addi %add3A_38, %add3A_39 : i32
    %dma_start3A_41 = arith.constant 0 : i32
    %dma_start3A_42 = tpu.memref_slice %arg5[%add3A_40, %dma_start3A_41] : memref<16384x1024xf32, #tpu.memory_space<hbm>> -> memref<16x1024xf32, #tpu.memory_space<hbm>>
    %dma_start3A_43 = arith.constant 0 : i32
    %dma_start3A_44 = tpu.memref_slice %arg5[%add3A_40, %dma_start3A_43] : memref<16384x1024xf32, #tpu.memory_space<hbm>> -> memref<16x1024xf32, #tpu.memory_space<hbm>>
    tpu.enqueue_dma source(%arg9 : memref<16x1024xf32, #tpu.memory_space<vmem>>) target(%dma_start3A_44 : memref<16x1024xf32, #tpu.memory_space<hbm>>) target_semaphore(%arg19 : memref<!tpu.dma_semaphore, #tpu.memory_space<semaphore_mem>>)
    %add3A_45 = arith.constant 12288 : i32
    %add3A_46 = arith.addi %add3A_45, %mul3A_2 : i32
    %add3A_47 = arith.constant 0 : i32
    %add3A_48 = arith.addi %add3A_46, %add3A_47 : i32
    %dma_start3A_49 = arith.constant 0 : i32
    %dma_start3A_50 = tpu.memref_slice %arg5[%add3A_48, %dma_start3A_49] : memref<16384x1024xf32, #tpu.memory_space<hbm>> -> memref<16x1024xf32, #tpu.memory_space<hbm>>
    %dma_start3A_51 = arith.constant 0 : i32
    %dma_start3A_52 = tpu.memref_slice %arg5[%add3A_48, %dma_start3A_51] : memref<16384x1024xf32, #tpu.memory_space<hbm>> -> memref<16x1024xf32, #tpu.memory_space<hbm>>
    tpu.enqueue_dma source(%arg10 : memref<16x1024xf32, #tpu.memory_space<vmem>>) target(%dma_start3A_52 : memref<16x1024xf32, #tpu.memory_space<hbm>>) target_semaphore(%arg20 : memref<!tpu.dma_semaphore, #tpu.memory_space<semaphore_mem>>)
    %scan3A = arith.constant 0 : i32
    %scan3A_53 = arith.constant 0 : i32
    %scan3A_54 = arith.constant 4 : i32
    %scan3A_55 = arith.addi %scan3A_53, %scan3A_54 : i32
    %scan3A_56 = arith.constant 1 : i32
    scf.for %scan3A_81 = %scan3A_53 to %scan3A_55 step %scan3A_56  : i32 {
      %mul3A_82 = arith.constant 2 : i32
      %mul3A_83 = arith.muli %scan3A_81, %mul3A_82 : i32
      %add3A_84 = arith.constant 0 : i32
      %add3A_85 = arith.addi %mul3A_83, %add3A_84 : i32
      %dma_wait3A_86 = arith.constant 0 : i32
      %dma_wait3A_87 = tpu.memref_slice %arg4[%mul3A_2, %dma_wait3A_86] : memref<4096x1024xf32, #tpu.memory_space<hbm>> -> memref<16x1024xf32, #tpu.memory_space<hbm>>
      %dma_wait3A_88 = arith.constant 0 : i32
      %dma_wait3A_89 = tpu.memref_slice %arg4[%mul3A_2, %dma_wait3A_88] : memref<4096x1024xf32, #tpu.memory_space<hbm>> -> memref<16x1024xf32, #tpu.memory_space<hbm>>
      tpu.wait_dma2 semaphore(%arg21 : memref<!tpu.dma_semaphore, #tpu.memory_space<semaphore_mem>>) src(%dma_wait3A_89 : memref<16x1024xf32, #tpu.memory_space<hbm>>) dst(%arg11 : memref<16x1024xf32, #tpu.memory_space<vmem>>)
      %dma_wait3A_90 = arith.constant 0 : i32
      %dma_wait3A_91 = tpu.memref_slice %arg5[%mul3A_2, %dma_wait3A_90] : memref<16384x1024xf32, #tpu.memory_space<hbm>> -> memref<16x1024xf32, #tpu.memory_space<hbm>>
      %dma_wait3A_92 = arith.constant 0 : i32
      %dma_wait3A_93 = tpu.memref_slice %arg5[%mul3A_2, %dma_wait3A_92] : memref<16384x1024xf32, #tpu.memory_space<hbm>> -> memref<16x1024xf32, #tpu.memory_space<hbm>>
      tpu.wait_dma2 semaphore(%arg19 : memref<!tpu.dma_semaphore, #tpu.memory_space<semaphore_mem>>) src(%arg9 : memref<16x1024xf32, #tpu.memory_space<vmem>>) dst(%dma_wait3A_93 : memref<16x1024xf32, #tpu.memory_space<hbm>>)
      %add3A_94 = arith.constant 0 : i32
      %add3A_95 = arith.addi %mul3A_83, %add3A_94 : i32
      %min3A_96 = arith.constant 7 : i32
      %min3A_97 = arith.minsi %add3A_95, %min3A_96 : i32
      %dma_start3A_98 = arith.constant 2 : i32
      %dma_start3A_99 = arith.constant 0 : i32
      %dma_start3A_100 = tpu.memref_slice %arg6[%min3A_97, %dma_start3A_98, %dma_start3A_99] : memref<8x4x16xi32, #tpu.memory_space<vmem>> -> memref<1x1x16xi32, #tpu.memory_space<vmem>>
      %dma_start3A_101 = tpu.memref_squeeze %dma_start3A_100 : memref<1x1x16xi32, #tpu.memory_space<vmem>> -> memref<16xi32, #tpu.memory_space<vmem>>
      %dma_start3A_102 = arith.constant 0 : i32
      %dma_start3A_103 = arith.constant 0 : i32
      %dma_start3A_104 = tpu.memref_slice %arg3[%dma_start3A_102, %dma_start3A_103] : memref<50304x1024xf32, #tpu.memory_space<hbm>> -> memref<50304x1024xf32, #tpu.memory_space<hbm>>
      tpu.enqueue_indirect_dma source(%dma_start3A_104 : memref<50304x1024xf32, #tpu.memory_space<hbm>>) target(%arg9 : memref<16x1024xf32, #tpu.memory_space<vmem>>) offsets(%dma_start3A_101 : memref<16xi32, #tpu.memory_space<vmem>>) semaphore(%arg15 : memref<!tpu.dma_semaphore, #tpu.memory_space<semaphore_mem>>)
      %dma_wait3A_105 = arith.constant 0 : i32
      %dma_wait3A_106 = tpu.memref_slice %arg4[%mul3A_2, %dma_wait3A_105] : memref<4096x1024xf32, #tpu.memory_space<hbm>> -> memref<16x1024xf32, #tpu.memory_space<hbm>>
      %dma_wait3A_107 = arith.constant 0 : i32
      %dma_wait3A_108 = tpu.memref_slice %arg4[%mul3A_2, %dma_wait3A_107] : memref<4096x1024xf32, #tpu.memory_space<hbm>> -> memref<16x1024xf32, #tpu.memory_space<hbm>>
      tpu.wait_dma2 semaphore(%arg13 : memref<!tpu.dma_semaphore, #tpu.memory_space<semaphore_mem>>) src(%dma_wait3A_108 : memref<16x1024xf32, #tpu.memory_space<hbm>>) dst(%arg7 : memref<16x1024xf32, #tpu.memory_space<vmem>>)
      %parallel_loop3A = arith.constant 0 : i32
      %parallel_loop3A_109 = arith.constant 1024 : i32
      %parallel_loop3A_110 = arith.constant 1 : i32
      scf.for %parallel_loop3A_377 = %parallel_loop3A to %parallel_loop3A_109 step %parallel_loop3A_110  : i32 {
        %parallel_loop3A_378 = arith.constant 64 : i32
        %parallel_loop3A_379 = arith.divsi %parallel_loop3A_377, %parallel_loop3A_378 : i32
        %parallel_loop3A_380 = arith.constant 0 : i32
        %parallel_loop3A_381 = arith.cmpi sgt, %parallel_loop3A_377, %parallel_loop3A_380 : i32
        %parallel_loop3A_382 = arith.extui %parallel_loop3A_381 : i1 to i32
        %parallel_loop3A_383 = arith.constant 0 : i32
        %parallel_loop3A_384 = arith.cmpi slt, %parallel_loop3A_377, %parallel_loop3A_383 : i32
        %parallel_loop3A_385 = arith.extui %parallel_loop3A_384 : i1 to i32
        %parallel_loop3A_386 = arith.subi %parallel_loop3A_382, %parallel_loop3A_385 : i32
        %parallel_loop3A_387 = arith.constant 0 : i32
        %parallel_loop3A_388 = arith.cmpi sgt, %parallel_loop3A_378, %parallel_loop3A_387 : i32
        %parallel_loop3A_389 = arith.extui %parallel_loop3A_388 : i1 to i32
        %parallel_loop3A_390 = arith.constant 0 : i32
        %parallel_loop3A_391 = arith.cmpi slt, %parallel_loop3A_378, %parallel_loop3A_390 : i32
        %parallel_loop3A_392 = arith.extui %parallel_loop3A_391 : i1 to i32
        %parallel_loop3A_393 = arith.subi %parallel_loop3A_389, %parallel_loop3A_392 : i32
        %parallel_loop3A_394 = arith.cmpi ne, %parallel_loop3A_386, %parallel_loop3A_393 : i32
        %parallel_loop3A_395 = arith.remsi %parallel_loop3A_377, %parallel_loop3A_378 : i32
        %parallel_loop3A_396 = arith.constant 0 : i32
        %parallel_loop3A_397 = arith.cmpi ne, %parallel_loop3A_395, %parallel_loop3A_396 : i32
        %parallel_loop3A_398 = arith.andi %parallel_loop3A_394, %parallel_loop3A_397 : i1
        %parallel_loop3A_399 = arith.constant 1 : i32
        %parallel_loop3A_400 = arith.subi %parallel_loop3A_379, %parallel_loop3A_399 : i32
        %parallel_loop3A_401 = arith.select %parallel_loop3A_398, %parallel_loop3A_400, %parallel_loop3A_379 : i32
        %parallel_loop3A_402 = arith.constant 64 : i32
        %parallel_loop3A_403 = arith.constant 0 : i32
        %parallel_loop3A_404 = arith.cmpi eq, %parallel_loop3A_402, %parallel_loop3A_403 : i32
        %parallel_loop3A_405 = arith.constant 1 : i32
        %parallel_loop3A_406 = arith.select %parallel_loop3A_404, %parallel_loop3A_405, %parallel_loop3A_402 : i32
        %parallel_loop3A_407 = arith.remsi %parallel_loop3A_377, %parallel_loop3A_406 : i32
        %parallel_loop3A_408 = arith.constant 0 : i32
        %parallel_loop3A_409 = arith.cmpi ne, %parallel_loop3A_407, %parallel_loop3A_408 : i32
        %parallel_loop3A_410 = arith.constant 0 : i32
        %parallel_loop3A_411 = arith.cmpi slt, %parallel_loop3A_407, %parallel_loop3A_410 : i32
        %parallel_loop3A_412 = arith.constant 0 : i32
        %parallel_loop3A_413 = arith.cmpi slt, %parallel_loop3A_406, %parallel_loop3A_412 : i32
        %parallel_loop3A_414 = arith.xori %parallel_loop3A_411, %parallel_loop3A_413 : i1
        %parallel_loop3A_415 = arith.andi %parallel_loop3A_414, %parallel_loop3A_409 : i1
        %parallel_loop3A_416 = arith.addi %parallel_loop3A_407, %parallel_loop3A_406 : i32
        %parallel_loop3A_417 = arith.select %parallel_loop3A_415, %parallel_loop3A_416, %parallel_loop3A_407 : i32
        %parallel_loop3A_418 = arith.constant 16 : i32
        %parallel_loop3A_419 = arith.muli %parallel_loop3A_417, %parallel_loop3A_418 : i32
        %parallel_loop3A_420 = arith.index_cast %parallel_loop3A_401 : i32 to index
        %parallel_loop3A_421 = arith.index_cast %parallel_loop3A_419 : i32 to index
        %parallel_loop3A_422 = tpu.vector_load %arg11[%parallel_loop3A_420, %parallel_loop3A_421] {strides = array<i32>} : memref<16x1024xf32, #tpu.memory_space<vmem>>, vector<1x16xf32>,
        %parallel_loop3A_423 = vector.shape_cast %parallel_loop3A_422 : vector<1x16xf32> to vector<16xf32>
        %parallel_loop3A_424 = arith.index_cast %parallel_loop3A_401 : i32 to index
        %parallel_loop3A_425 = arith.index_cast %parallel_loop3A_419 : i32 to index
        %parallel_loop3A_426 = tpu.vector_load %arg7[%parallel_loop3A_424, %parallel_loop3A_425] {strides = array<i32>} : memref<16x1024xf32, #tpu.memory_space<vmem>>, vector<1x16xf32>,
        %parallel_loop3A_427 = vector.shape_cast %parallel_loop3A_426 : vector<1x16xf32> to vector<16xf32>
        %parallel_loop3A_428 = vector.shape_cast %parallel_loop3A_423 : vector<16xf32> to vector<1x16xf32>
        tpu.vector_store %arg7[%parallel_loop3A_424, %parallel_loop3A_425], %parallel_loop3A_428 {add = true, strides = array<i32>} : memref<16x1024xf32, #tpu.memory_space<vmem>>, vector<1x16xf32>,
      } {sc.loop_unroll_factor = 8 : i64, sc.parallel_access}
      %add3A_111 = arith.constant 0 : i32
      %add3A_112 = arith.addi %add3A_111, %mul3A_2 : i32
      %mul3A_113 = arith.constant 16 : i32
      %mul3A_114 = arith.muli %add3A_85, %mul3A_113 : i32
      %add3A_115 = arith.addi %add3A_112, %mul3A_114 : i32
      %dma_start3A_116 = arith.constant 0 : i32
      %dma_start3A_117 = tpu.memref_slice %arg5[%add3A_115, %dma_start3A_116] : memref<16384x1024xf32, #tpu.memory_space<hbm>> -> memref<16x1024xf32, #tpu.memory_space<hbm>>
      %dma_start3A_118 = arith.constant 0 : i32
      %dma_start3A_119 = tpu.memref_slice %arg5[%add3A_115, %dma_start3A_118] : memref<16384x1024xf32, #tpu.memory_space<hbm>> -> memref<16x1024xf32, #tpu.memory_space<hbm>>
      tpu.enqueue_dma source(%arg7 : memref<16x1024xf32, #tpu.memory_space<vmem>>) target(%dma_start3A_119 : memref<16x1024xf32, #tpu.memory_space<hbm>>) target_semaphore(%arg17 : memref<!tpu.dma_semaphore, #tpu.memory_space<semaphore_mem>>)
      %add3A_120 = arith.constant 0 : i32
      %add3A_121 = arith.addi %mul3A_83, %add3A_120 : i32
      %dma_wait3A_122 = arith.constant 0 : i32
      %dma_wait3A_123 = tpu.memref_slice %arg5[%mul3A_2, %dma_wait3A_122] : memref<16384x1024xf32, #tpu.memory_space<hbm>> -> memref<16x1024xf32, #tpu.memory_space<hbm>>
      %dma_wait3A_124 = arith.constant 0 : i32
      %dma_wait3A_125 = tpu.memref_slice %arg5[%mul3A_2, %dma_wait3A_124] : memref<16384x1024xf32, #tpu.memory_space<hbm>> -> memref<16x1024xf32, #tpu.memory_space<hbm>>
      tpu.wait_dma2 semaphore(%arg20 : memref<!tpu.dma_semaphore, #tpu.memory_space<semaphore_mem>>) src(%arg10 : memref<16x1024xf32, #tpu.memory_space<vmem>>) dst(%dma_wait3A_125 : memref<16x1024xf32, #tpu.memory_space<hbm>>)
      %add3A_126 = arith.constant 0 : i32
      %add3A_127 = arith.addi %mul3A_83, %add3A_126 : i32
      %min3A_128 = arith.constant 7 : i32
      %min3A_129 = arith.minsi %add3A_127, %min3A_128 : i32
      %dma_start3A_130 = arith.constant 3 : i32
      %dma_start3A_131 = arith.constant 0 : i32
      %dma_start3A_132 = tpu.memref_slice %arg6[%min3A_129, %dma_start3A_130, %dma_start3A_131] : memref<8x4x16xi32, #tpu.memory_space<vmem>> -> memref<1x1x16xi32, #tpu.memory_space<vmem>>
      %dma_start3A_133 = tpu.memref_squeeze %dma_start3A_132 : memref<1x1x16xi32, #tpu.memory_space<vmem>> -> memref<16xi32, #tpu.memory_space<vmem>>
      %dma_start3A_134 = arith.constant 0 : i32
      %dma_start3A_135 = arith.constant 0 : i32
      %dma_start3A_136 = tpu.memref_slice %arg3[%dma_start3A_134, %dma_start3A_135] : memref<50304x1024xf32, #tpu.memory_space<hbm>> -> memref<50304x1024xf32, #tpu.memory_space<hbm>>
      tpu.enqueue_indirect_dma source(%dma_start3A_136 : memref<50304x1024xf32, #tpu.memory_space<hbm>>) target(%arg10 : memref<16x1024xf32, #tpu.memory_space<vmem>>) offsets(%dma_start3A_133 : memref<16xi32, #tpu.memory_space<vmem>>) semaphore(%arg16 : memref<!tpu.dma_semaphore, #tpu.memory_space<semaphore_mem>>)
      %dma_wait3A_137 = arith.constant 0 : i32
      %dma_wait3A_138 = tpu.memref_slice %arg4[%mul3A_2, %dma_wait3A_137] : memref<4096x1024xf32, #tpu.memory_space<hbm>> -> memref<16x1024xf32, #tpu.memory_space<hbm>>
      %dma_wait3A_139 = arith.constant 0 : i32
      %dma_wait3A_140 = tpu.memref_slice %arg4[%mul3A_2, %dma_wait3A_139] : memref<4096x1024xf32, #tpu.memory_space<hbm>> -> memref<16x1024xf32, #tpu.memory_space<hbm>>
      tpu.wait_dma2 semaphore(%arg14 : memref<!tpu.dma_semaphore, #tpu.memory_space<semaphore_mem>>) src(%dma_wait3A_140 : memref<16x1024xf32, #tpu.memory_space<hbm>>) dst(%arg8 : memref<16x1024xf32, #tpu.memory_space<vmem>>)
      %parallel_loop3A_141 = arith.constant 0 : i32
      %parallel_loop3A_142 = arith.constant 1024 : i32
      %parallel_loop3A_143 = arith.constant 1 : i32
      scf.for %parallel_loop3A_377 = %parallel_loop3A_141 to %parallel_loop3A_142 step %parallel_loop3A_143  : i32 {
        %parallel_loop3A_378 = arith.constant 64 : i32
        %parallel_loop3A_379 = arith.divsi %parallel_loop3A_377, %parallel_loop3A_378 : i32
        %parallel_loop3A_380 = arith.constant 0 : i32
        %parallel_loop3A_381 = arith.cmpi sgt, %parallel_loop3A_377, %parallel_loop3A_380 : i32
        %parallel_loop3A_382 = arith.extui %parallel_loop3A_381 : i1 to i32
        %parallel_loop3A_383 = arith.constant 0 : i32
        %parallel_loop3A_384 = arith.cmpi slt, %parallel_loop3A_377, %parallel_loop3A_383 : i32
        %parallel_loop3A_385 = arith.extui %parallel_loop3A_384 : i1 to i32
        %parallel_loop3A_386 = arith.subi %parallel_loop3A_382, %parallel_loop3A_385 : i32
        %parallel_loop3A_387 = arith.constant 0 : i32
        %parallel_loop3A_388 = arith.cmpi sgt, %parallel_loop3A_378, %parallel_loop3A_387 : i32
        %parallel_loop3A_389 = arith.extui %parallel_loop3A_388 : i1 to i32
        %parallel_loop3A_390 = arith.constant 0 : i32
        %parallel_loop3A_391 = arith.cmpi slt, %parallel_loop3A_378, %parallel_loop3A_390 : i32
        %parallel_loop3A_392 = arith.extui %parallel_loop3A_391 : i1 to i32
        %parallel_loop3A_393 = arith.subi %parallel_loop3A_389, %parallel_loop3A_392 : i32
        %parallel_loop3A_394 = arith.cmpi ne, %parallel_loop3A_386, %parallel_loop3A_393 : i32
        %parallel_loop3A_395 = arith.remsi %parallel_loop3A_377, %parallel_loop3A_378 : i32
        %parallel_loop3A_396 = arith.constant 0 : i32
        %parallel_loop3A_397 = arith.cmpi ne, %parallel_loop3A_395, %parallel_loop3A_396 : i32
        %parallel_loop3A_398 = arith.andi %parallel_loop3A_394, %parallel_loop3A_397 : i1
        %parallel_loop3A_399 = arith.constant 1 : i32
        %parallel_loop3A_400 = arith.subi %parallel_loop3A_379, %parallel_loop3A_399 : i32
        %parallel_loop3A_401 = arith.select %parallel_loop3A_398, %parallel_loop3A_400, %parallel_loop3A_379 : i32
        %parallel_loop3A_402 = arith.constant 64 : i32
        %parallel_loop3A_403 = arith.constant 0 : i32
        %parallel_loop3A_404 = arith.cmpi eq, %parallel_loop3A_402, %parallel_loop3A_403 : i32
        %parallel_loop3A_405 = arith.constant 1 : i32
        %parallel_loop3A_406 = arith.select %parallel_loop3A_404, %parallel_loop3A_405, %parallel_loop3A_402 : i32
        %parallel_loop3A_407 = arith.remsi %parallel_loop3A_377, %parallel_loop3A_406 : i32
        %parallel_loop3A_408 = arith.constant 0 : i32
        %parallel_loop3A_409 = arith.cmpi ne, %parallel_loop3A_407, %parallel_loop3A_408 : i32
        %parallel_loop3A_410 = arith.constant 0 : i32
        %parallel_loop3A_411 = arith.cmpi slt, %parallel_loop3A_407, %parallel_loop3A_410 : i32
        %parallel_loop3A_412 = arith.constant 0 : i32
        %parallel_loop3A_413 = arith.cmpi slt, %parallel_loop3A_406, %parallel_loop3A_412 : i32
        %parallel_loop3A_414 = arith.xori %parallel_loop3A_411, %parallel_loop3A_413 : i1
        %parallel_loop3A_415 = arith.andi %parallel_loop3A_414, %parallel_loop3A_409 : i1
        %parallel_loop3A_416 = arith.addi %parallel_loop3A_407, %parallel_loop3A_406 : i32
        %parallel_loop3A_417 = arith.select %parallel_loop3A_415, %parallel_loop3A_416, %parallel_loop3A_407 : i32
        %parallel_loop3A_418 = arith.constant 16 : i32
        %parallel_loop3A_419 = arith.muli %parallel_loop3A_417, %parallel_loop3A_418 : i32
        %parallel_loop3A_420 = arith.index_cast %parallel_loop3A_401 : i32 to index
        %parallel_loop3A_421 = arith.index_cast %parallel_loop3A_419 : i32 to index
        %parallel_loop3A_422 = tpu.vector_load %arg11[%parallel_loop3A_420, %parallel_loop3A_421] {strides = array<i32>} : memref<16x1024xf32, #tpu.memory_space<vmem>>, vector<1x16xf32>,
        %parallel_loop3A_423 = vector.shape_cast %parallel_loop3A_422 : vector<1x16xf32> to vector<16xf32>
        %parallel_loop3A_424 = arith.index_cast %parallel_loop3A_401 : i32 to index
        %parallel_loop3A_425 = arith.index_cast %parallel_loop3A_419 : i32 to index
        %parallel_loop3A_426 = tpu.vector_load %arg8[%parallel_loop3A_424, %parallel_loop3A_425] {strides = array<i32>} : memref<16x1024xf32, #tpu.memory_space<vmem>>, vector<1x16xf32>,
        %parallel_loop3A_427 = vector.shape_cast %parallel_loop3A_426 : vector<1x16xf32> to vector<16xf32>
        %parallel_loop3A_428 = vector.shape_cast %parallel_loop3A_423 : vector<16xf32> to vector<1x16xf32>
        tpu.vector_store %arg8[%parallel_loop3A_424, %parallel_loop3A_425], %parallel_loop3A_428 {add = true, strides = array<i32>} : memref<16x1024xf32, #tpu.memory_space<vmem>>, vector<1x16xf32>,
      } {sc.loop_unroll_factor = 8 : i64, sc.parallel_access}
      %add3A_144 = arith.constant 4096 : i32
      %add3A_145 = arith.addi %add3A_144, %mul3A_2 : i32
      %mul3A_146 = arith.constant 16 : i32
      %mul3A_147 = arith.muli %add3A_121, %mul3A_146 : i32
      %add3A_148 = arith.addi %add3A_145, %mul3A_147 : i32
      %dma_start3A_149 = arith.constant 0 : i32
      %dma_start3A_150 = tpu.memref_slice %arg5[%add3A_148, %dma_start3A_149] : memref<16384x1024xf32, #tpu.memory_space<hbm>> -> memref<16x1024xf32, #tpu.memory_space<hbm>>
      %dma_start3A_151 = arith.constant 0 : i32
      %dma_start3A_152 = tpu.memref_slice %arg5[%add3A_148, %dma_start3A_151] : memref<16384x1024xf32, #tpu.memory_space<hbm>> -> memref<16x1024xf32, #tpu.memory_space<hbm>>
      tpu.enqueue_dma source(%arg8 : memref<16x1024xf32, #tpu.memory_space<vmem>>) target(%dma_start3A_152 : memref<16x1024xf32, #tpu.memory_space<hbm>>) target_semaphore(%arg18 : memref<!tpu.dma_semaphore, #tpu.memory_space<semaphore_mem>>)
      %add3A_153 = arith.constant 0 : i32
      %add3A_154 = arith.addi %mul3A_83, %add3A_153 : i32
      %dma_wait3A_155 = arith.constant 0 : i32
      %dma_wait3A_156 = tpu.memref_slice %arg5[%mul3A_2, %dma_wait3A_155] : memref<16384x1024xf32, #tpu.memory_space<hbm>> -> memref<16x1024xf32, #tpu.memory_space<hbm>>
      %dma_wait3A_157 = arith.constant 0 : i32
      %dma_wait3A_158 = tpu.memref_slice %arg5[%mul3A_2, %dma_wait3A_157] : memref<16384x1024xf32, #tpu.memory_space<hbm>> -> memref<16x1024xf32, #tpu.memory_space<hbm>>
      tpu.wait_dma2 semaphore(%arg17 : memref<!tpu.dma_semaphore, #tpu.memory_space<semaphore_mem>>) src(%arg7 : memref<16x1024xf32, #tpu.memory_space<vmem>>) dst(%dma_wait3A_158 : memref<16x1024xf32, #tpu.memory_space<hbm>>)
      %add3A_159 = arith.constant 1 : i32
      %add3A_160 = arith.addi %mul3A_83, %add3A_159 : i32
      %min3A_161 = arith.constant 7 : i32
      %min3A_162 = arith.minsi %add3A_160, %min3A_161 : i32
      %dma_start3A_163 = arith.constant 0 : i32
      %dma_start3A_164 = arith.constant 0 : i32
      %dma_start3A_165 = tpu.memref_slice %arg6[%min3A_162, %dma_start3A_163, %dma_start3A_164] : memref<8x4x16xi32, #tpu.memory_space<vmem>> -> memref<1x1x16xi32, #tpu.memory_space<vmem>>
      %dma_start3A_166 = tpu.memref_squeeze %dma_start3A_165 : memref<1x1x16xi32, #tpu.memory_space<vmem>> -> memref<16xi32, #tpu.memory_space<vmem>>
      %dma_start3A_167 = arith.constant 0 : i32
      %dma_start3A_168 = arith.constant 0 : i32
      %dma_start3A_169 = tpu.memref_slice %arg3[%dma_start3A_167, %dma_start3A_168] : memref<50304x1024xf32, #tpu.memory_space<hbm>> -> memref<50304x1024xf32, #tpu.memory_space<hbm>>
      tpu.enqueue_indirect_dma source(%dma_start3A_169 : memref<50304x1024xf32, #tpu.memory_space<hbm>>) target(%arg7 : memref<16x1024xf32, #tpu.memory_space<vmem>>) offsets(%dma_start3A_166 : memref<16xi32, #tpu.memory_space<vmem>>) semaphore(%arg13 : memref<!tpu.dma_semaphore, #tpu.memory_space<semaphore_mem>>)
      %dma_wait3A_170 = arith.constant 0 : i32
      %dma_wait3A_171 = tpu.memref_slice %arg4[%mul3A_2, %dma_wait3A_170] : memref<4096x1024xf32, #tpu.memory_space<hbm>> -> memref<16x1024xf32, #tpu.memory_space<hbm>>
      %dma_wait3A_172 = arith.constant 0 : i32
      %dma_wait3A_173 = tpu.memref_slice %arg4[%mul3A_2, %dma_wait3A_172] : memref<4096x1024xf32, #tpu.memory_space<hbm>> -> memref<16x1024xf32, #tpu.memory_space<hbm>>
      tpu.wait_dma2 semaphore(%arg15 : memref<!tpu.dma_semaphore, #tpu.memory_space<semaphore_mem>>) src(%dma_wait3A_173 : memref<16x1024xf32, #tpu.memory_space<hbm>>) dst(%arg9 : memref<16x1024xf32, #tpu.memory_space<vmem>>)
      %parallel_loop3A_174 = arith.constant 0 : i32
      %parallel_loop3A_175 = arith.constant 1024 : i32
      %parallel_loop3A_176 = arith.constant 1 : i32
      scf.for %parallel_loop3A_377 = %parallel_loop3A_174 to %parallel_loop3A_175 step %parallel_loop3A_176  : i32 {
        %parallel_loop3A_378 = arith.constant 64 : i32
        %parallel_loop3A_379 = arith.divsi %parallel_loop3A_377, %parallel_loop3A_378 : i32
        %parallel_loop3A_380 = arith.constant 0 : i32
        %parallel_loop3A_381 = arith.cmpi sgt, %parallel_loop3A_377, %parallel_loop3A_380 : i32
        %parallel_loop3A_382 = arith.extui %parallel_loop3A_381 : i1 to i32
        %parallel_loop3A_383 = arith.constant 0 : i32
        %parallel_loop3A_384 = arith.cmpi slt, %parallel_loop3A_377, %parallel_loop3A_383 : i32
        %parallel_loop3A_385 = arith.extui %parallel_loop3A_384 : i1 to i32
        %parallel_loop3A_386 = arith.subi %parallel_loop3A_382, %parallel_loop3A_385 : i32
        %parallel_loop3A_387 = arith.constant 0 : i32
        %parallel_loop3A_388 = arith.cmpi sgt, %parallel_loop3A_378, %parallel_loop3A_387 : i32
        %parallel_loop3A_389 = arith.extui %parallel_loop3A_388 : i1 to i32
        %parallel_loop3A_390 = arith.constant 0 : i32
        %parallel_loop3A_391 = arith.cmpi slt, %parallel_loop3A_378, %parallel_loop3A_390 : i32
        %parallel_loop3A_392 = arith.extui %parallel_loop3A_391 : i1 to i32
        %parallel_loop3A_393 = arith.subi %parallel_loop3A_389, %parallel_loop3A_392 : i32
        %parallel_loop3A_394 = arith.cmpi ne, %parallel_loop3A_386, %parallel_loop3A_393 : i32
        %parallel_loop3A_395 = arith.remsi %parallel_loop3A_377, %parallel_loop3A_378 : i32
        %parallel_loop3A_396 = arith.constant 0 : i32
        %parallel_loop3A_397 = arith.cmpi ne, %parallel_loop3A_395, %parallel_loop3A_396 : i32
        %parallel_loop3A_398 = arith.andi %parallel_loop3A_394, %parallel_loop3A_397 : i1
        %parallel_loop3A_399 = arith.constant 1 : i32
        %parallel_loop3A_400 = arith.subi %parallel_loop3A_379, %parallel_loop3A_399 : i32
        %parallel_loop3A_401 = arith.select %parallel_loop3A_398, %parallel_loop3A_400, %parallel_loop3A_379 : i32
        %parallel_loop3A_402 = arith.constant 64 : i32
        %parallel_loop3A_403 = arith.constant 0 : i32
        %parallel_loop3A_404 = arith.cmpi eq, %parallel_loop3A_402, %parallel_loop3A_403 : i32
        %parallel_loop3A_405 = arith.constant 1 : i32
        %parallel_loop3A_406 = arith.select %parallel_loop3A_404, %parallel_loop3A_405, %parallel_loop3A_402 : i32
        %parallel_loop3A_407 = arith.remsi %parallel_loop3A_377, %parallel_loop3A_406 : i32
        %parallel_loop3A_408 = arith.constant 0 : i32
        %parallel_loop3A_409 = arith.cmpi ne, %parallel_loop3A_407, %parallel_loop3A_408 : i32
        %parallel_loop3A_410 = arith.constant 0 : i32
        %parallel_loop3A_411 = arith.cmpi slt, %parallel_loop3A_407, %parallel_loop3A_410 : i32
        %parallel_loop3A_412 = arith.constant 0 : i32
        %parallel_loop3A_413 = arith.cmpi slt, %parallel_loop3A_406, %parallel_loop3A_412 : i32
        %parallel_loop3A_414 = arith.xori %parallel_loop3A_411, %parallel_loop3A_413 : i1
        %parallel_loop3A_415 = arith.andi %parallel_loop3A_414, %parallel_loop3A_409 : i1
        %parallel_loop3A_416 = arith.addi %parallel_loop3A_407, %parallel_loop3A_406 : i32
        %parallel_loop3A_417 = arith.select %parallel_loop3A_415, %parallel_loop3A_416, %parallel_loop3A_407 : i32
        %parallel_loop3A_418 = arith.constant 16 : i32
        %parallel_loop3A_419 = arith.muli %parallel_loop3A_417, %parallel_loop3A_418 : i32
        %parallel_loop3A_420 = arith.index_cast %parallel_loop3A_401 : i32 to index
        %parallel_loop3A_421 = arith.index_cast %parallel_loop3A_419 : i32 to index
        %parallel_loop3A_422 = tpu.vector_load %arg11[%parallel_loop3A_420, %parallel_loop3A_421] {strides = array<i32>} : memref<16x1024xf32, #tpu.memory_space<vmem>>, vector<1x16xf32>,
        %parallel_loop3A_423 = vector.shape_cast %parallel_loop3A_422 : vector<1x16xf32> to vector<16xf32>
        %parallel_loop3A_424 = arith.index_cast %parallel_loop3A_401 : i32 to index
        %parallel_loop3A_425 = arith.index_cast %parallel_loop3A_419 : i32 to index
        %parallel_loop3A_426 = tpu.vector_load %arg9[%parallel_loop3A_424, %parallel_loop3A_425] {strides = array<i32>} : memref<16x1024xf32, #tpu.memory_space<vmem>>, vector<1x16xf32>,
        %parallel_loop3A_427 = vector.shape_cast %parallel_loop3A_426 : vector<1x16xf32> to vector<16xf32>
        %parallel_loop3A_428 = vector.shape_cast %parallel_loop3A_423 : vector<16xf32> to vector<1x16xf32>
        tpu.vector_store %arg9[%parallel_loop3A_424, %parallel_loop3A_425], %parallel_loop3A_428 {add = true, strides = array<i32>} : memref<16x1024xf32, #tpu.memory_space<vmem>>, vector<1x16xf32>,
      } {sc.loop_unroll_factor = 8 : i64, sc.parallel_access}
      %add3A_177 = arith.constant 8192 : i32
      %add3A_178 = arith.addi %add3A_177, %mul3A_2 : i32
      %mul3A_179 = arith.constant 16 : i32
      %mul3A_180 = arith.muli %add3A_154, %mul3A_179 : i32
      %add3A_181 = arith.addi %add3A_178, %mul3A_180 : i32
      %dma_start3A_182 = arith.constant 0 : i32
      %dma_start3A_183 = tpu.memref_slice %arg5[%add3A_181, %dma_start3A_182] : memref<16384x1024xf32, #tpu.memory_space<hbm>> -> memref<16x1024xf32, #tpu.memory_space<hbm>>
      %dma_start3A_184 = arith.constant 0 : i32
      %dma_start3A_185 = tpu.memref_slice %arg5[%add3A_181, %dma_start3A_184] : memref<16384x1024xf32, #tpu.memory_space<hbm>> -> memref<16x1024xf32, #tpu.memory_space<hbm>>
      tpu.enqueue_dma source(%arg9 : memref<16x1024xf32, #tpu.memory_space<vmem>>) target(%dma_start3A_185 : memref<16x1024xf32, #tpu.memory_space<hbm>>) target_semaphore(%arg19 : memref<!tpu.dma_semaphore, #tpu.memory_space<semaphore_mem>>)
      %add3A_186 = arith.constant 0 : i32
      %add3A_187 = arith.addi %mul3A_83, %add3A_186 : i32
      %dma_wait3A_188 = arith.constant 0 : i32
      %dma_wait3A_189 = tpu.memref_slice %arg5[%mul3A_2, %dma_wait3A_188] : memref<16384x1024xf32, #tpu.memory_space<hbm>> -> memref<16x1024xf32, #tpu.memory_space<hbm>>
      %dma_wait3A_190 = arith.constant 0 : i32
      %dma_wait3A_191 = tpu.memref_slice %arg5[%mul3A_2, %dma_wait3A_190] : memref<16384x1024xf32, #tpu.memory_space<hbm>> -> memref<16x1024xf32, #tpu.memory_space<hbm>>
      tpu.wait_dma2 semaphore(%arg18 : memref<!tpu.dma_semaphore, #tpu.memory_space<semaphore_mem>>) src(%arg8 : memref<16x1024xf32, #tpu.memory_space<vmem>>) dst(%dma_wait3A_191 : memref<16x1024xf32, #tpu.memory_space<hbm>>)
      %add3A_192 = arith.constant 1 : i32
      %add3A_193 = arith.addi %mul3A_83, %add3A_192 : i32
      %min3A_194 = arith.constant 7 : i32
      %min3A_195 = arith.minsi %add3A_193, %min3A_194 : i32
      %dma_start3A_196 = arith.constant 1 : i32
      %dma_start3A_197 = arith.constant 0 : i32
      %dma_start3A_198 = tpu.memref_slice %arg6[%min3A_195, %dma_start3A_196, %dma_start3A_197] : memref<8x4x16xi32, #tpu.memory_space<vmem>> -> memref<1x1x16xi32, #tpu.memory_space<vmem>>
      %dma_start3A_199 = tpu.memref_squeeze %dma_start3A_198 : memref<1x1x16xi32, #tpu.memory_space<vmem>> -> memref<16xi32, #tpu.memory_space<vmem>>
      %dma_start3A_200 = arith.constant 0 : i32
      %dma_start3A_201 = arith.constant 0 : i32
      %dma_start3A_202 = tpu.memref_slice %arg3[%dma_start3A_200, %dma_start3A_201] : memref<50304x1024xf32, #tpu.memory_space<hbm>> -> memref<50304x1024xf32, #tpu.memory_space<hbm>>
      tpu.enqueue_indirect_dma source(%dma_start3A_202 : memref<50304x1024xf32, #tpu.memory_space<hbm>>) target(%arg8 : memref<16x1024xf32, #tpu.memory_space<vmem>>) offsets(%dma_start3A_199 : memref<16xi32, #tpu.memory_space<vmem>>) semaphore(%arg14 : memref<!tpu.dma_semaphore, #tpu.memory_space<semaphore_mem>>)
      %dma_wait3A_203 = arith.constant 0 : i32
      %dma_wait3A_204 = tpu.memref_slice %arg4[%mul3A_2, %dma_wait3A_203] : memref<4096x1024xf32, #tpu.memory_space<hbm>> -> memref<16x1024xf32, #tpu.memory_space<hbm>>
      %dma_wait3A_205 = arith.constant 0 : i32
      %dma_wait3A_206 = tpu.memref_slice %arg4[%mul3A_2, %dma_wait3A_205] : memref<4096x1024xf32, #tpu.memory_space<hbm>> -> memref<16x1024xf32, #tpu.memory_space<hbm>>
      tpu.wait_dma2 semaphore(%arg16 : memref<!tpu.dma_semaphore, #tpu.memory_space<semaphore_mem>>) src(%dma_wait3A_206 : memref<16x1024xf32, #tpu.memory_space<hbm>>) dst(%arg10 : memref<16x1024xf32, #tpu.memory_space<vmem>>)
      %parallel_loop3A_207 = arith.constant 0 : i32
      %parallel_loop3A_208 = arith.constant 1024 : i32
      %parallel_loop3A_209 = arith.constant 1 : i32
      scf.for %parallel_loop3A_377 = %parallel_loop3A_207 to %parallel_loop3A_208 step %parallel_loop3A_209  : i32 {
        %parallel_loop3A_378 = arith.constant 64 : i32
        %parallel_loop3A_379 = arith.divsi %parallel_loop3A_377, %parallel_loop3A_378 : i32
        %parallel_loop3A_380 = arith.constant 0 : i32
        %parallel_loop3A_381 = arith.cmpi sgt, %parallel_loop3A_377, %parallel_loop3A_380 : i32
        %parallel_loop3A_382 = arith.extui %parallel_loop3A_381 : i1 to i32
        %parallel_loop3A_383 = arith.constant 0 : i32
        %parallel_loop3A_384 = arith.cmpi slt, %parallel_loop3A_377, %parallel_loop3A_383 : i32
        %parallel_loop3A_385 = arith.extui %parallel_loop3A_384 : i1 to i32
        %parallel_loop3A_386 = arith.subi %parallel_loop3A_382, %parallel_loop3A_385 : i32
        %parallel_loop3A_387 = arith.constant 0 : i32
        %parallel_loop3A_388 = arith.cmpi sgt, %parallel_loop3A_378, %parallel_loop3A_387 : i32
        %parallel_loop3A_389 = arith.extui %parallel_loop3A_388 : i1 to i32
        %parallel_loop3A_390 = arith.constant 0 : i32
        %parallel_loop3A_391 = arith.cmpi slt, %parallel_loop3A_378, %parallel_loop3A_390 : i32
        %parallel_loop3A_392 = arith.extui %parallel_loop3A_391 : i1 to i32
        %parallel_loop3A_393 = arith.subi %parallel_loop3A_389, %parallel_loop3A_392 : i32
        %parallel_loop3A_394 = arith.cmpi ne, %parallel_loop3A_386, %parallel_loop3A_393 : i32
        %parallel_loop3A_395 = arith.remsi %parallel_loop3A_377, %parallel_loop3A_378 : i32
        %parallel_loop3A_396 = arith.constant 0 : i32
        %parallel_loop3A_397 = arith.cmpi ne, %parallel_loop3A_395, %parallel_loop3A_396 : i32
        %parallel_loop3A_398 = arith.andi %parallel_loop3A_394, %parallel_loop3A_397 : i1
        %parallel_loop3A_399 = arith.constant 1 : i32
        %parallel_loop3A_400 = arith.subi %parallel_loop3A_379, %parallel_loop3A_399 : i32
        %parallel_loop3A_401 = arith.select %parallel_loop3A_398, %parallel_loop3A_400, %parallel_loop3A_379 : i32
        %parallel_loop3A_402 = arith.constant 64 : i32
        %parallel_loop3A_403 = arith.constant 0 : i32
        %parallel_loop3A_404 = arith.cmpi eq, %parallel_loop3A_402, %parallel_loop3A_403 : i32
        %parallel_loop3A_405 = arith.constant 1 : i32
        %parallel_loop3A_406 = arith.select %parallel_loop3A_404, %parallel_loop3A_405, %parallel_loop3A_402 : i32
        %parallel_loop3A_407 = arith.remsi %parallel_loop3A_377, %parallel_loop3A_406 : i32
        %parallel_loop3A_408 = arith.constant 0 : i32
        %parallel_loop3A_409 = arith.cmpi ne, %parallel_loop3A_407, %parallel_loop3A_408 : i32
        %parallel_loop3A_410 = arith.constant 0 : i32
        %parallel_loop3A_411 = arith.cmpi slt, %parallel_loop3A_407, %parallel_loop3A_410 : i32
        %parallel_loop3A_412 = arith.constant 0 : i32
        %parallel_loop3A_413 = arith.cmpi slt, %parallel_loop3A_406, %parallel_loop3A_412 : i32
        %parallel_loop3A_414 = arith.xori %parallel_loop3A_411, %parallel_loop3A_413 : i1
        %parallel_loop3A_415 = arith.andi %parallel_loop3A_414, %parallel_loop3A_409 : i1
        %parallel_loop3A_416 = arith.addi %parallel_loop3A_407, %parallel_loop3A_406 : i32
        %parallel_loop3A_417 = arith.select %parallel_loop3A_415, %parallel_loop3A_416, %parallel_loop3A_407 : i32
        %parallel_loop3A_418 = arith.constant 16 : i32
        %parallel_loop3A_419 = arith.muli %parallel_loop3A_417, %parallel_loop3A_418 : i32
        %parallel_loop3A_420 = arith.index_cast %parallel_loop3A_401 : i32 to index
        %parallel_loop3A_421 = arith.index_cast %parallel_loop3A_419 : i32 to index
        %parallel_loop3A_422 = tpu.vector_load %arg11[%parallel_loop3A_420, %parallel_loop3A_421] {strides = array<i32>} : memref<16x1024xf32, #tpu.memory_space<vmem>>, vector<1x16xf32>,
        %parallel_loop3A_423 = vector.shape_cast %parallel_loop3A_422 : vector<1x16xf32> to vector<16xf32>
        %parallel_loop3A_424 = arith.index_cast %parallel_loop3A_401 : i32 to index
        %parallel_loop3A_425 = arith.index_cast %parallel_loop3A_419 : i32 to index
        %parallel_loop3A_426 = tpu.vector_load %arg10[%parallel_loop3A_424, %parallel_loop3A_425] {strides = array<i32>} : memref<16x1024xf32, #tpu.memory_space<vmem>>, vector<1x16xf32>,
        %parallel_loop3A_427 = vector.shape_cast %parallel_loop3A_426 : vector<1x16xf32> to vector<16xf32>
        %parallel_loop3A_428 = vector.shape_cast %parallel_loop3A_423 : vector<16xf32> to vector<1x16xf32>
        tpu.vector_store %arg10[%parallel_loop3A_424, %parallel_loop3A_425], %parallel_loop3A_428 {add = true, strides = array<i32>} : memref<16x1024xf32, #tpu.memory_space<vmem>>, vector<1x16xf32>,
      } {sc.loop_unroll_factor = 8 : i64, sc.parallel_access}
      %add3A_210 = arith.constant 12288 : i32
      %add3A_211 = arith.addi %add3A_210, %mul3A_2 : i32
      %mul3A_212 = arith.constant 16 : i32
      %mul3A_213 = arith.muli %add3A_187, %mul3A_212 : i32
      %add3A_214 = arith.addi %add3A_211, %mul3A_213 : i32
      %dma_start3A_215 = arith.constant 0 : i32
      %dma_start3A_216 = tpu.memref_slice %arg5[%add3A_214, %dma_start3A_215] : memref<16384x1024xf32, #tpu.memory_space<hbm>> -> memref<16x1024xf32, #tpu.memory_space<hbm>>
      %dma_start3A_217 = arith.constant 0 : i32
      %dma_start3A_218 = tpu.memref_slice %arg5[%add3A_214, %dma_start3A_217] : memref<16384x1024xf32, #tpu.memory_space<hbm>> -> memref<16x1024xf32, #tpu.memory_space<hbm>>
      tpu.enqueue_dma source(%arg10 : memref<16x1024xf32, #tpu.memory_space<vmem>>) target(%dma_start3A_218 : memref<16x1024xf32, #tpu.memory_space<hbm>>) target_semaphore(%arg20 : memref<!tpu.dma_semaphore, #tpu.memory_space<semaphore_mem>>)
      %add3A_219 = arith.constant 1 : i32
      %add3A_220 = arith.addi %mul3A_83, %add3A_219 : i32
      %dma_wait3A_221 = arith.constant 0 : i32
      %dma_wait3A_222 = tpu.memref_slice %arg4[%mul3A_2, %dma_wait3A_221] : memref<4096x1024xf32, #tpu.memory_space<hbm>> -> memref<16x1024xf32, #tpu.memory_space<hbm>>
      %dma_wait3A_223 = arith.constant 0 : i32
      %dma_wait3A_224 = tpu.memref_slice %arg4[%mul3A_2, %dma_wait3A_223] : memref<4096x1024xf32, #tpu.memory_space<hbm>> -> memref<16x1024xf32, #tpu.memory_space<hbm>>
      tpu.wait_dma2 semaphore(%arg22 : memref<!tpu.dma_semaphore, #tpu.memory_space<semaphore_mem>>) src(%dma_wait3A_224 : memref<16x1024xf32, #tpu.memory_space<hbm>>) dst(%arg12 : memref<16x1024xf32, #tpu.memory_space<vmem>>)
      %add3A_225 = arith.constant 2 : i32
      %add3A_226 = arith.addi %mul3A_83, %add3A_225 : i32
      %min3A_227 = arith.constant 7 : i32
      %min3A_228 = arith.minsi %add3A_226, %min3A_227 : i32
      %mul3A_229 = arith.constant 16 : i32
      %mul3A_230 = arith.muli %min3A_228, %mul3A_229 : i32
      %add3A_231 = arith.addi %mul3A_2, %mul3A_230 : i32
      %dma_start3A_232 = arith.constant 0 : i32
      %dma_start3A_233 = tpu.memref_slice %arg4[%add3A_231, %dma_start3A_232] : memref<4096x1024xf32, #tpu.memory_space<hbm>> -> memref<16x1024xf32, #tpu.memory_space<hbm>>
      %dma_start3A_234 = arith.constant 0 : i32
      %dma_start3A_235 = tpu.memref_slice %arg4[%add3A_231, %dma_start3A_234] : memref<4096x1024xf32, #tpu.memory_space<hbm>> -> memref<16x1024xf32, #tpu.memory_space<hbm>>
      tpu.enqueue_dma source(%dma_start3A_235 : memref<16x1024xf32, #tpu.memory_space<hbm>>) target(%arg11 : memref<16x1024xf32, #tpu.memory_space<vmem>>) target_semaphore(%arg21 : memref<!tpu.dma_semaphore, #tpu.memory_space<semaphore_mem>>)
      %dma_wait3A_236 = arith.constant 0 : i32
      %dma_wait3A_237 = tpu.memref_slice %arg5[%mul3A_2, %dma_wait3A_236] : memref<16384x1024xf32, #tpu.memory_space<hbm>> -> memref<16x1024xf32, #tpu.memory_space<hbm>>
      %dma_wait3A_238 = arith.constant 0 : i32
      %dma_wait3A_239 = tpu.memref_slice %arg5[%mul3A_2, %dma_wait3A_238] : memref<16384x1024xf32, #tpu.memory_space<hbm>> -> memref<16x1024xf32, #tpu.memory_space<hbm>>
      tpu.wait_dma2 semaphore(%arg19 : memref<!tpu.dma_semaphore, #tpu.memory_space<semaphore_mem>>) src(%arg9 : memref<16x1024xf32, #tpu.memory_space<vmem>>) dst(%dma_wait3A_239 : memref<16x1024xf32, #tpu.memory_space<hbm>>)
      %add3A_240 = arith.constant 1 : i32
      %add3A_241 = arith.addi %mul3A_83, %add3A_240 : i32
      %min3A_242 = arith.constant 7 : i32
      %min3A_243 = arith.minsi %add3A_241, %min3A_242 : i32
      %dma_start3A_244 = arith.constant 2 : i32
      %dma_start3A_245 = arith.constant 0 : i32
      %dma_start3A_246 = tpu.memref_slice %arg6[%min3A_243, %dma_start3A_244, %dma_start3A_245] : memref<8x4x16xi32, #tpu.memory_space<vmem>> -> memref<1x1x16xi32, #tpu.memory_space<vmem>>
      %dma_start3A_247 = tpu.memref_squeeze %dma_start3A_246 : memref<1x1x16xi32, #tpu.memory_space<vmem>> -> memref<16xi32, #tpu.memory_space<vmem>>
      %dma_start3A_248 = arith.constant 0 : i32
      %dma_start3A_249 = arith.constant 0 : i32
      %dma_start3A_250 = tpu.memref_slice %arg3[%dma_start3A_248, %dma_start3A_249] : memref<50304x1024xf32, #tpu.memory_space<hbm>> -> memref<50304x1024xf32, #tpu.memory_space<hbm>>
      tpu.enqueue_indirect_dma source(%dma_start3A_250 : memref<50304x1024xf32, #tpu.memory_space<hbm>>) target(%arg9 : memref<16x1024xf32, #tpu.memory_space<vmem>>) offsets(%dma_start3A_247 : memref<16xi32, #tpu.memory_space<vmem>>) semaphore(%arg15 : memref<!tpu.dma_semaphore, #tpu.memory_space<semaphore_mem>>)
      %dma_wait3A_251 = arith.constant 0 : i32
      %dma_wait3A_252 = tpu.memref_slice %arg4[%mul3A_2, %dma_wait3A_251] : memref<4096x1024xf32, #tpu.memory_space<hbm>> -> memref<16x1024xf32, #tpu.memory_space<hbm>>
      %dma_wait3A_253 = arith.constant 0 : i32
      %dma_wait3A_254 = tpu.memref_slice %arg4[%mul3A_2, %dma_wait3A_253] : memref<4096x1024xf32, #tpu.memory_space<hbm>> -> memref<16x1024xf32, #tpu.memory_space<hbm>>
      tpu.wait_dma2 semaphore(%arg13 : memref<!tpu.dma_semaphore, #tpu.memory_space<semaphore_mem>>) src(%dma_wait3A_254 : memref<16x1024xf32, #tpu.memory_space<hbm>>) dst(%arg7 : memref<16x1024xf32, #tpu.memory_space<vmem>>)
      %parallel_loop3A_255 = arith.constant 0 : i32
      %parallel_loop3A_256 = arith.constant 1024 : i32
      %parallel_loop3A_257 = arith.constant 1 : i32
      scf.for %parallel_loop3A_377 = %parallel_loop3A_255 to %parallel_loop3A_256 step %parallel_loop3A_257  : i32 {
        %parallel_loop3A_378 = arith.constant 64 : i32
        %parallel_loop3A_379 = arith.divsi %parallel_loop3A_377, %parallel_loop3A_378 : i32
        %parallel_loop3A_380 = arith.constant 0 : i32
        %parallel_loop3A_381 = arith.cmpi sgt, %parallel_loop3A_377, %parallel_loop3A_380 : i32
        %parallel_loop3A_382 = arith.extui %parallel_loop3A_381 : i1 to i32
        %parallel_loop3A_383 = arith.constant 0 : i32
        %parallel_loop3A_384 = arith.cmpi slt, %parallel_loop3A_377, %parallel_loop3A_383 : i32
        %parallel_loop3A_385 = arith.extui %parallel_loop3A_384 : i1 to i32
        %parallel_loop3A_386 = arith.subi %parallel_loop3A_382, %parallel_loop3A_385 : i32
        %parallel_loop3A_387 = arith.constant 0 : i32
        %parallel_loop3A_388 = arith.cmpi sgt, %parallel_loop3A_378, %parallel_loop3A_387 : i32
        %parallel_loop3A_389 = arith.extui %parallel_loop3A_388 : i1 to i32
        %parallel_loop3A_390 = arith.constant 0 : i32
        %parallel_loop3A_391 = arith.cmpi slt, %parallel_loop3A_378, %parallel_loop3A_390 : i32
        %parallel_loop3A_392 = arith.extui %parallel_loop3A_391 : i1 to i32
        %parallel_loop3A_393 = arith.subi %parallel_loop3A_389, %parallel_loop3A_392 : i32
        %parallel_loop3A_394 = arith.cmpi ne, %parallel_loop3A_386, %parallel_loop3A_393 : i32
        %parallel_loop3A_395 = arith.remsi %parallel_loop3A_377, %parallel_loop3A_378 : i32
        %parallel_loop3A_396 = arith.constant 0 : i32
        %parallel_loop3A_397 = arith.cmpi ne, %parallel_loop3A_395, %parallel_loop3A_396 : i32
        %parallel_loop3A_398 = arith.andi %parallel_loop3A_394, %parallel_loop3A_397 : i1
        %parallel_loop3A_399 = arith.constant 1 : i32
        %parallel_loop3A_400 = arith.subi %parallel_loop3A_379, %parallel_loop3A_399 : i32
        %parallel_loop3A_401 = arith.select %parallel_loop3A_398, %parallel_loop3A_400, %parallel_loop3A_379 : i32
        %parallel_loop3A_402 = arith.constant 64 : i32
        %parallel_loop3A_403 = arith.constant 0 : i32
        %parallel_loop3A_404 = arith.cmpi eq, %parallel_loop3A_402, %parallel_loop3A_403 : i32
        %parallel_loop3A_405 = arith.constant 1 : i32
        %parallel_loop3A_406 = arith.select %parallel_loop3A_404, %parallel_loop3A_405, %parallel_loop3A_402 : i32
        %parallel_loop3A_407 = arith.remsi %parallel_loop3A_377, %parallel_loop3A_406 : i32
        %parallel_loop3A_408 = arith.constant 0 : i32
        %parallel_loop3A_409 = arith.cmpi ne, %parallel_loop3A_407, %parallel_loop3A_408 : i32
        %parallel_loop3A_410 = arith.constant 0 : i32
        %parallel_loop3A_411 = arith.cmpi slt, %parallel_loop3A_407, %parallel_loop3A_410 : i32
        %parallel_loop3A_412 = arith.constant 0 : i32
        %parallel_loop3A_413 = arith.cmpi slt, %parallel_loop3A_406, %parallel_loop3A_412 : i32
        %parallel_loop3A_414 = arith.xori %parallel_loop3A_411, %parallel_loop3A_413 : i1
        %parallel_loop3A_415 = arith.andi %parallel_loop3A_414, %parallel_loop3A_409 : i1
        %parallel_loop3A_416 = arith.addi %parallel_loop3A_407, %parallel_loop3A_406 : i32
        %parallel_loop3A_417 = arith.select %parallel_loop3A_415, %parallel_loop3A_416, %parallel_loop3A_407 : i32
        %parallel_loop3A_418 = arith.constant 16 : i32
        %parallel_loop3A_419 = arith.muli %parallel_loop3A_417, %parallel_loop3A_418 : i32
        %parallel_loop3A_420 = arith.index_cast %parallel_loop3A_401 : i32 to index
        %parallel_loop3A_421 = arith.index_cast %parallel_loop3A_419 : i32 to index
        %parallel_loop3A_422 = tpu.vector_load %arg12[%parallel_loop3A_420, %parallel_loop3A_421] {strides = array<i32>} : memref<16x1024xf32, #tpu.memory_space<vmem>>, vector<1x16xf32>,
        %parallel_loop3A_423 = vector.shape_cast %parallel_loop3A_422 : vector<1x16xf32> to vector<16xf32>
        %parallel_loop3A_424 = arith.index_cast %parallel_loop3A_401 : i32 to index
        %parallel_loop3A_425 = arith.index_cast %parallel_loop3A_419 : i32 to index
        %parallel_loop3A_426 = tpu.vector_load %arg7[%parallel_loop3A_424, %parallel_loop3A_425] {strides = array<i32>} : memref<16x1024xf32, #tpu.memory_space<vmem>>, vector<1x16xf32>,
        %parallel_loop3A_427 = vector.shape_cast %parallel_loop3A_426 : vector<1x16xf32> to vector<16xf32>
        %parallel_loop3A_428 = vector.shape_cast %parallel_loop3A_423 : vector<16xf32> to vector<1x16xf32>
        tpu.vector_store %arg7[%parallel_loop3A_424, %parallel_loop3A_425], %parallel_loop3A_428 {add = true, strides = array<i32>} : memref<16x1024xf32, #tpu.memory_space<vmem>>, vector<1x16xf32>,
      } {sc.loop_unroll_factor = 8 : i64, sc.parallel_access}
      %add3A_258 = arith.constant 0 : i32
      %add3A_259 = arith.addi %add3A_258, %mul3A_2 : i32
      %mul3A_260 = arith.constant 16 : i32
      %mul3A_261 = arith.muli %add3A_220, %mul3A_260 : i32
      %add3A_262 = arith.addi %add3A_259, %mul3A_261 : i32
      %dma_start3A_263 = arith.constant 0 : i32
      %dma_start3A_264 = tpu.memref_slice %arg5[%add3A_262, %dma_start3A_263] : memref<16384x1024xf32, #tpu.memory_space<hbm>> -> memref<16x1024xf32, #tpu.memory_space<hbm>>
      %dma_start3A_265 = arith.constant 0 : i32
      %dma_start3A_266 = tpu.memref_slice %arg5[%add3A_262, %dma_start3A_265] : memref<16384x1024xf32, #tpu.memory_space<hbm>> -> memref<16x1024xf32, #tpu.memory_space<hbm>>
      tpu.enqueue_dma source(%arg7 : memref<16x1024xf32, #tpu.memory_space<vmem>>) target(%dma_start3A_266 : memref<16x1024xf32, #tpu.memory_space<hbm>>) target_semaphore(%arg17 : memref<!tpu.dma_semaphore, #tpu.memory_space<semaphore_mem>>)
      %add3A_267 = arith.constant 1 : i32
      %add3A_268 = arith.addi %mul3A_83, %add3A_267 : i32
      %dma_wait3A_269 = arith.constant 0 : i32
      %dma_wait3A_270 = tpu.memref_slice %arg5[%mul3A_2, %dma_wait3A_269] : memref<16384x1024xf32, #tpu.memory_space<hbm>> -> memref<16x1024xf32, #tpu.memory_space<hbm>>
      %dma_wait3A_271 = arith.constant 0 : i32
      %dma_wait3A_272 = tpu.memref_slice %arg5[%mul3A_2, %dma_wait3A_271] : memref<16384x1024xf32, #tpu.memory_space<hbm>> -> memref<16x1024xf32, #tpu.memory_space<hbm>>
      tpu.wait_dma2 semaphore(%arg20 : memref<!tpu.dma_semaphore, #tpu.memory_space<semaphore_mem>>) src(%arg10 : memref<16x1024xf32, #tpu.memory_space<vmem>>) dst(%dma_wait3A_272 : memref<16x1024xf32, #tpu.memory_space<hbm>>)
      %add3A_273 = arith.constant 1 : i32
      %add3A_274 = arith.addi %mul3A_83, %add3A_273 : i32
      %min3A_275 = arith.constant 7 : i32
      %min3A_276 = arith.minsi %add3A_274, %min3A_275 : i32
      %dma_start3A_277 = arith.constant 3 : i32
      %dma_start3A_278 = arith.constant 0 : i32
      %dma_start3A_279 = tpu.memref_slice %arg6[%min3A_276, %dma_start3A_277, %dma_start3A_278] : memref<8x4x16xi32, #tpu.memory_space<vmem>> -> memref<1x1x16xi32, #tpu.memory_space<vmem>>
      %dma_start3A_280 = tpu.memref_squeeze %dma_start3A_279 : memref<1x1x16xi32, #tpu.memory_space<vmem>> -> memref<16xi32, #tpu.memory_space<vmem>>
      %dma_start3A_281 = arith.constant 0 : i32
      %dma_start3A_282 = arith.constant 0 : i32
      %dma_start3A_283 = tpu.memref_slice %arg3[%dma_start3A_281, %dma_start3A_282] : memref<50304x1024xf32, #tpu.memory_space<hbm>> -> memref<50304x1024xf32, #tpu.memory_space<hbm>>
      tpu.enqueue_indirect_dma source(%dma_start3A_283 : memref<50304x1024xf32, #tpu.memory_space<hbm>>) target(%arg10 : memref<16x1024xf32, #tpu.memory_space<vmem>>) offsets(%dma_start3A_280 : memref<16xi32, #tpu.memory_space<vmem>>) semaphore(%arg16 : memref<!tpu.dma_semaphore, #tpu.memory_space<semaphore_mem>>)
      %dma_wait3A_284 = arith.constant 0 : i32
      %dma_wait3A_285 = tpu.memref_slice %arg4[%mul3A_2, %dma_wait3A_284] : memref<4096x1024xf32, #tpu.memory_space<hbm>> -> memref<16x1024xf32, #tpu.memory_space<hbm>>
      %dma_wait3A_286 = arith.constant 0 : i32
      %dma_wait3A_287 = tpu.memref_slice %arg4[%mul3A_2, %dma_wait3A_286] : memref<4096x1024xf32, #tpu.memory_space<hbm>> -> memref<16x1024xf32, #tpu.memory_space<hbm>>
      tpu.wait_dma2 semaphore(%arg14 : memref<!tpu.dma_semaphore, #tpu.memory_space<semaphore_mem>>) src(%dma_wait3A_287 : memref<16x1024xf32, #tpu.memory_space<hbm>>) dst(%arg8 : memref<16x1024xf32, #tpu.memory_space<vmem>>)
      %parallel_loop3A_288 = arith.constant 0 : i32
      %parallel_loop3A_289 = arith.constant 1024 : i32
      %parallel_loop3A_290 = arith.constant 1 : i32
      scf.for %parallel_loop3A_377 = %parallel_loop3A_288 to %parallel_loop3A_289 step %parallel_loop3A_290  : i32 {
        %parallel_loop3A_378 = arith.constant 64 : i32
        %parallel_loop3A_379 = arith.divsi %parallel_loop3A_377, %parallel_loop3A_378 : i32
        %parallel_loop3A_380 = arith.constant 0 : i32
        %parallel_loop3A_381 = arith.cmpi sgt, %parallel_loop3A_377, %parallel_loop3A_380 : i32
        %parallel_loop3A_382 = arith.extui %parallel_loop3A_381 : i1 to i32
        %parallel_loop3A_383 = arith.constant 0 : i32
        %parallel_loop3A_384 = arith.cmpi slt, %parallel_loop3A_377, %parallel_loop3A_383 : i32
        %parallel_loop3A_385 = arith.extui %parallel_loop3A_384 : i1 to i32
        %parallel_loop3A_386 = arith.subi %parallel_loop3A_382, %parallel_loop3A_385 : i32
        %parallel_loop3A_387 = arith.constant 0 : i32
        %parallel_loop3A_388 = arith.cmpi sgt, %parallel_loop3A_378, %parallel_loop3A_387 : i32
        %parallel_loop3A_389 = arith.extui %parallel_loop3A_388 : i1 to i32
        %parallel_loop3A_390 = arith.constant 0 : i32
        %parallel_loop3A_391 = arith.cmpi slt, %parallel_loop3A_378, %parallel_loop3A_390 : i32
        %parallel_loop3A_392 = arith.extui %parallel_loop3A_391 : i1 to i32
        %parallel_loop3A_393 = arith.subi %parallel_loop3A_389, %parallel_loop3A_392 : i32
        %parallel_loop3A_394 = arith.cmpi ne, %parallel_loop3A_386, %parallel_loop3A_393 : i32
        %parallel_loop3A_395 = arith.remsi %parallel_loop3A_377, %parallel_loop3A_378 : i32
        %parallel_loop3A_396 = arith.constant 0 : i32
        %parallel_loop3A_397 = arith.cmpi ne, %parallel_loop3A_395, %parallel_loop3A_396 : i32
        %parallel_loop3A_398 = arith.andi %parallel_loop3A_394, %parallel_loop3A_397 : i1
        %parallel_loop3A_399 = arith.constant 1 : i32
        %parallel_loop3A_400 = arith.subi %parallel_loop3A_379, %parallel_loop3A_399 : i32
        %parallel_loop3A_401 = arith.select %parallel_loop3A_398, %parallel_loop3A_400, %parallel_loop3A_379 : i32
        %parallel_loop3A_402 = arith.constant 64 : i32
        %parallel_loop3A_403 = arith.constant 0 : i32
        %parallel_loop3A_404 = arith.cmpi eq, %parallel_loop3A_402, %parallel_loop3A_403 : i32
        %parallel_loop3A_405 = arith.constant 1 : i32
        %parallel_loop3A_406 = arith.select %parallel_loop3A_404, %parallel_loop3A_405, %parallel_loop3A_402 : i32
        %parallel_loop3A_407 = arith.remsi %parallel_loop3A_377, %parallel_loop3A_406 : i32
        %parallel_loop3A_408 = arith.constant 0 : i32
        %parallel_loop3A_409 = arith.cmpi ne, %parallel_loop3A_407, %parallel_loop3A_408 : i32
        %parallel_loop3A_410 = arith.constant 0 : i32
        %parallel_loop3A_411 = arith.cmpi slt, %parallel_loop3A_407, %parallel_loop3A_410 : i32
        %parallel_loop3A_412 = arith.constant 0 : i32
        %parallel_loop3A_413 = arith.cmpi slt, %parallel_loop3A_406, %parallel_loop3A_412 : i32
        %parallel_loop3A_414 = arith.xori %parallel_loop3A_411, %parallel_loop3A_413 : i1
        %parallel_loop3A_415 = arith.andi %parallel_loop3A_414, %parallel_loop3A_409 : i1
        %parallel_loop3A_416 = arith.addi %parallel_loop3A_407, %parallel_loop3A_406 : i32
        %parallel_loop3A_417 = arith.select %parallel_loop3A_415, %parallel_loop3A_416, %parallel_loop3A_407 : i32
        %parallel_loop3A_418 = arith.constant 16 : i32
        %parallel_loop3A_419 = arith.muli %parallel_loop3A_417, %parallel_loop3A_418 : i32
        %parallel_loop3A_420 = arith.index_cast %parallel_loop3A_401 : i32 to index
        %parallel_loop3A_421 = arith.index_cast %parallel_loop3A_419 : i32 to index
        %parallel_loop3A_422 = tpu.vector_load %arg12[%parallel_loop3A_420, %parallel_loop3A_421] {strides = array<i32>} : memref<16x1024xf32, #tpu.memory_space<vmem>>, vector<1x16xf32>,
        %parallel_loop3A_423 = vector.shape_cast %parallel_loop3A_422 : vector<1x16xf32> to vector<16xf32>
        %parallel_loop3A_424 = arith.index_cast %parallel_loop3A_401 : i32 to index
        %parallel_loop3A_425 = arith.index_cast %parallel_loop3A_419 : i32 to index
        %parallel_loop3A_426 = tpu.vector_load %arg8[%parallel_loop3A_424, %parallel_loop3A_425] {strides = array<i32>} : memref<16x1024xf32, #tpu.memory_space<vmem>>, vector<1x16xf32>,
        %parallel_loop3A_427 = vector.shape_cast %parallel_loop3A_426 : vector<1x16xf32> to vector<16xf32>
        %parallel_loop3A_428 = vector.shape_cast %parallel_loop3A_423 : vector<16xf32> to vector<1x16xf32>
        tpu.vector_store %arg8[%parallel_loop3A_424, %parallel_loop3A_425], %parallel_loop3A_428 {add = true, strides = array<i32>} : memref<16x1024xf32, #tpu.memory_space<vmem>>, vector<1x16xf32>,
      } {sc.loop_unroll_factor = 8 : i64, sc.parallel_access}
      %add3A_291 = arith.constant 4096 : i32
      %add3A_292 = arith.addi %add3A_291, %mul3A_2 : i32
      %mul3A_293 = arith.constant 16 : i32
      %mul3A_294 = arith.muli %add3A_268, %mul3A_293 : i32
      %add3A_295 = arith.addi %add3A_292, %mul3A_294 : i32
      %dma_start3A_296 = arith.constant 0 : i32
      %dma_start3A_297 = tpu.memref_slice %arg5[%add3A_295, %dma_start3A_296] : memref<16384x1024xf32, #tpu.memory_space<hbm>> -> memref<16x1024xf32, #tpu.memory_space<hbm>>
      %dma_start3A_298 = arith.constant 0 : i32
      %dma_start3A_299 = tpu.memref_slice %arg5[%add3A_295, %dma_start3A_298] : memref<16384x1024xf32, #tpu.memory_space<hbm>> -> memref<16x1024xf32, #tpu.memory_space<hbm>>
      tpu.enqueue_dma source(%arg8 : memref<16x1024xf32, #tpu.memory_space<vmem>>) target(%dma_start3A_299 : memref<16x1024xf32, #tpu.memory_space<hbm>>) target_semaphore(%arg18 : memref<!tpu.dma_semaphore, #tpu.memory_space<semaphore_mem>>)
      %add3A_300 = arith.constant 1 : i32
      %add3A_301 = arith.addi %mul3A_83, %add3A_300 : i32
      %dma_wait3A_302 = arith.constant 0 : i32
      %dma_wait3A_303 = tpu.memref_slice %arg5[%mul3A_2, %dma_wait3A_302] : memref<16384x1024xf32, #tpu.memory_space<hbm>> -> memref<16x1024xf32, #tpu.memory_space<hbm>>
      %dma_wait3A_304 = arith.constant 0 : i32
      %dma_wait3A_305 = tpu.memref_slice %arg5[%mul3A_2, %dma_wait3A_304] : memref<16384x1024xf32, #tpu.memory_space<hbm>> -> memref<16x1024xf32, #tpu.memory_space<hbm>>
      tpu.wait_dma2 semaphore(%arg17 : memref<!tpu.dma_semaphore, #tpu.memory_space<semaphore_mem>>) src(%arg7 : memref<16x1024xf32, #tpu.memory_space<vmem>>) dst(%dma_wait3A_305 : memref<16x1024xf32, #tpu.memory_space<hbm>>)
      %add3A_306 = arith.constant 2 : i32
      %add3A_307 = arith.addi %mul3A_83, %add3A_306 : i32
      %min3A_308 = arith.constant 7 : i32
      %min3A_309 = arith.minsi %add3A_307, %min3A_308 : i32
      %dma_start3A_310 = arith.constant 0 : i32
      %dma_start3A_311 = arith.constant 0 : i32
      %dma_start3A_312 = tpu.memref_slice %arg6[%min3A_309, %dma_start3A_310, %dma_start3A_311] : memref<8x4x16xi32, #tpu.memory_space<vmem>> -> memref<1x1x16xi32, #tpu.memory_space<vmem>>
      %dma_start3A_313 = tpu.memref_squeeze %dma_start3A_312 : memref<1x1x16xi32, #tpu.memory_space<vmem>> -> memref<16xi32, #tpu.memory_space<vmem>>
      %dma_start3A_314 = arith.constant 0 : i32
      %dma_start3A_315 = arith.constant 0 : i32
      %dma_start3A_316 = tpu.memref_slice %arg3[%dma_start3A_314, %dma_start3A_315] : memref<50304x1024xf32, #tpu.memory_space<hbm>> -> memref<50304x1024xf32, #tpu.memory_space<hbm>>
      tpu.enqueue_indirect_dma source(%dma_start3A_316 : memref<50304x1024xf32, #tpu.memory_space<hbm>>) target(%arg7 : memref<16x1024xf32, #tpu.memory_space<vmem>>) offsets(%dma_start3A_313 : memref<16xi32, #tpu.memory_space<vmem>>) semaphore(%arg13 : memref<!tpu.dma_semaphore, #tpu.memory_space<semaphore_mem>>)
      %dma_wait3A_317 = arith.constant 0 : i32
      %dma_wait3A_318 = tpu.memref_slice %arg4[%mul3A_2, %dma_wait3A_317] : memref<4096x1024xf32, #tpu.memory_space<hbm>> -> memref<16x1024xf32, #tpu.memory_space<hbm>>
      %dma_wait3A_319 = arith.constant 0 : i32
      %dma_wait3A_320 = tpu.memref_slice %arg4[%mul3A_2, %dma_wait3A_319] : memref<4096x1024xf32, #tpu.memory_space<hbm>> -> memref<16x1024xf32, #tpu.memory_space<hbm>>
      tpu.wait_dma2 semaphore(%arg15 : memref<!tpu.dma_semaphore, #tpu.memory_space<semaphore_mem>>) src(%dma_wait3A_320 : memref<16x1024xf32, #tpu.memory_space<hbm>>) dst(%arg9 : memref<16x1024xf32, #tpu.memory_space<vmem>>)
      %parallel_loop3A_321 = arith.constant 0 : i32
      %parallel_loop3A_322 = arith.constant 1024 : i32
      %parallel_loop3A_323 = arith.constant 1 : i32
      scf.for %parallel_loop3A_377 = %parallel_loop3A_321 to %parallel_loop3A_322 step %parallel_loop3A_323  : i32 {
        %parallel_loop3A_378 = arith.constant 64 : i32
        %parallel_loop3A_379 = arith.divsi %parallel_loop3A_377, %parallel_loop3A_378 : i32
        %parallel_loop3A_380 = arith.constant 0 : i32
        %parallel_loop3A_381 = arith.cmpi sgt, %parallel_loop3A_377, %parallel_loop3A_380 : i32
        %parallel_loop3A_382 = arith.extui %parallel_loop3A_381 : i1 to i32
        %parallel_loop3A_383 = arith.constant 0 : i32
        %parallel_loop3A_384 = arith.cmpi slt, %parallel_loop3A_377, %parallel_loop3A_383 : i32
        %parallel_loop3A_385 = arith.extui %parallel_loop3A_384 : i1 to i32
        %parallel_loop3A_386 = arith.subi %parallel_loop3A_382, %parallel_loop3A_385 : i32
        %parallel_loop3A_387 = arith.constant 0 : i32
        %parallel_loop3A_388 = arith.cmpi sgt, %parallel_loop3A_378, %parallel_loop3A_387 : i32
        %parallel_loop3A_389 = arith.extui %parallel_loop3A_388 : i1 to i32
        %parallel_loop3A_390 = arith.constant 0 : i32
        %parallel_loop3A_391 = arith.cmpi slt, %parallel_loop3A_378, %parallel_loop3A_390 : i32
        %parallel_loop3A_392 = arith.extui %parallel_loop3A_391 : i1 to i32
        %parallel_loop3A_393 = arith.subi %parallel_loop3A_389, %parallel_loop3A_392 : i32
        %parallel_loop3A_394 = arith.cmpi ne, %parallel_loop3A_386, %parallel_loop3A_393 : i32
        %parallel_loop3A_395 = arith.remsi %parallel_loop3A_377, %parallel_loop3A_378 : i32
        %parallel_loop3A_396 = arith.constant 0 : i32
        %parallel_loop3A_397 = arith.cmpi ne, %parallel_loop3A_395, %parallel_loop3A_396 : i32
        %parallel_loop3A_398 = arith.andi %parallel_loop3A_394, %parallel_loop3A_397 : i1
        %parallel_loop3A_399 = arith.constant 1 : i32
        %parallel_loop3A_400 = arith.subi %parallel_loop3A_379, %parallel_loop3A_399 : i32
        %parallel_loop3A_401 = arith.select %parallel_loop3A_398, %parallel_loop3A_400, %parallel_loop3A_379 : i32
        %parallel_loop3A_402 = arith.constant 64 : i32
        %parallel_loop3A_403 = arith.constant 0 : i32
        %parallel_loop3A_404 = arith.cmpi eq, %parallel_loop3A_402, %parallel_loop3A_403 : i32
        %parallel_loop3A_405 = arith.constant 1 : i32
        %parallel_loop3A_406 = arith.select %parallel_loop3A_404, %parallel_loop3A_405, %parallel_loop3A_402 : i32
        %parallel_loop3A_407 = arith.remsi %parallel_loop3A_377, %parallel_loop3A_406 : i32
        %parallel_loop3A_408 = arith.constant 0 : i32
        %parallel_loop3A_409 = arith.cmpi ne, %parallel_loop3A_407, %parallel_loop3A_408 : i32
        %parallel_loop3A_410 = arith.constant 0 : i32
        %parallel_loop3A_411 = arith.cmpi slt, %parallel_loop3A_407, %parallel_loop3A_410 : i32
        %parallel_loop3A_412 = arith.constant 0 : i32
        %parallel_loop3A_413 = arith.cmpi slt, %parallel_loop3A_406, %parallel_loop3A_412 : i32
        %parallel_loop3A_414 = arith.xori %parallel_loop3A_411, %parallel_loop3A_413 : i1
        %parallel_loop3A_415 = arith.andi %parallel_loop3A_414, %parallel_loop3A_409 : i1
        %parallel_loop3A_416 = arith.addi %parallel_loop3A_407, %parallel_loop3A_406 : i32
        %parallel_loop3A_417 = arith.select %parallel_loop3A_415, %parallel_loop3A_416, %parallel_loop3A_407 : i32
        %parallel_loop3A_418 = arith.constant 16 : i32
        %parallel_loop3A_419 = arith.muli %parallel_loop3A_417, %parallel_loop3A_418 : i32
        %parallel_loop3A_420 = arith.index_cast %parallel_loop3A_401 : i32 to index
        %parallel_loop3A_421 = arith.index_cast %parallel_loop3A_419 : i32 to index
        %parallel_loop3A_422 = tpu.vector_load %arg12[%parallel_loop3A_420, %parallel_loop3A_421] {strides = array<i32>} : memref<16x1024xf32, #tpu.memory_space<vmem>>, vector<1x16xf32>,
        %parallel_loop3A_423 = vector.shape_cast %parallel_loop3A_422 : vector<1x16xf32> to vector<16xf32>
        %parallel_loop3A_424 = arith.index_cast %parallel_loop3A_401 : i32 to index
        %parallel_loop3A_425 = arith.index_cast %parallel_loop3A_419 : i32 to index
        %parallel_loop3A_426 = tpu.vector_load %arg9[%parallel_loop3A_424, %parallel_loop3A_425] {strides = array<i32>} : memref<16x1024xf32, #tpu.memory_space<vmem>>, vector<1x16xf32>,
        %parallel_loop3A_427 = vector.shape_cast %parallel_loop3A_426 : vector<1x16xf32> to vector<16xf32>
        %parallel_loop3A_428 = vector.shape_cast %parallel_loop3A_423 : vector<16xf32> to vector<1x16xf32>
        tpu.vector_store %arg9[%parallel_loop3A_424, %parallel_loop3A_425], %parallel_loop3A_428 {add = true, strides = array<i32>} : memref<16x1024xf32, #tpu.memory_space<vmem>>, vector<1x16xf32>,
      } {sc.loop_unroll_factor = 8 : i64, sc.parallel_access}
      %add3A_324 = arith.constant 8192 : i32
      %add3A_325 = arith.addi %add3A_324, %mul3A_2 : i32
      %mul3A_326 = arith.constant 16 : i32
      %mul3A_327 = arith.muli %add3A_301, %mul3A_326 : i32
      %add3A_328 = arith.addi %add3A_325, %mul3A_327 : i32
      %dma_start3A_329 = arith.constant 0 : i32
      %dma_start3A_330 = tpu.memref_slice %arg5[%add3A_328, %dma_start3A_329] : memref<16384x1024xf32, #tpu.memory_space<hbm>> -> memref<16x1024xf32, #tpu.memory_space<hbm>>
      %dma_start3A_331 = arith.constant 0 : i32
      %dma_start3A_332 = tpu.memref_slice %arg5[%add3A_328, %dma_start3A_331] : memref<16384x1024xf32, #tpu.memory_space<hbm>> -> memref<16x1024xf32, #tpu.memory_space<hbm>>
      tpu.enqueue_dma source(%arg9 : memref<16x1024xf32, #tpu.memory_space<vmem>>) target(%dma_start3A_332 : memref<16x1024xf32, #tpu.memory_space<hbm>>) target_semaphore(%arg19 : memref<!tpu.dma_semaphore, #tpu.memory_space<semaphore_mem>>)
      %add3A_333 = arith.constant 1 : i32
      %add3A_334 = arith.addi %mul3A_83, %add3A_333 : i32
      %dma_wait3A_335 = arith.constant 0 : i32
      %dma_wait3A_336 = tpu.memref_slice %arg5[%mul3A_2, %dma_wait3A_335] : memref<16384x1024xf32, #tpu.memory_space<hbm>> -> memref<16x1024xf32, #tpu.memory_space<hbm>>
      %dma_wait3A_337 = arith.constant 0 : i32
      %dma_wait3A_338 = tpu.memref_slice %arg5[%mul3A_2, %dma_wait3A_337] : memref<16384x1024xf32, #tpu.memory_space<hbm>> -> memref<16x1024xf32, #tpu.memory_space<hbm>>
      tpu.wait_dma2 semaphore(%arg18 : memref<!tpu.dma_semaphore, #tpu.memory_space<semaphore_mem>>) src(%arg8 : memref<16x1024xf32, #tpu.memory_space<vmem>>) dst(%dma_wait3A_338 : memref<16x1024xf32, #tpu.memory_space<hbm>>)
      %add3A_339 = arith.constant 2 : i32
      %add3A_340 = arith.addi %mul3A_83, %add3A_339 : i32
      %min3A_341 = arith.constant 7 : i32
      %min3A_342 = arith.minsi %add3A_340, %min3A_341 : i32
      %dma_start3A_343 = arith.constant 1 : i32
      %dma_start3A_344 = arith.constant 0 : i32
      %dma_start3A_345 = tpu.memref_slice %arg6[%min3A_342, %dma_start3A_343, %dma_start3A_344] : memref<8x4x16xi32, #tpu.memory_space<vmem>> -> memref<1x1x16xi32, #tpu.memory_space<vmem>>
      %dma_start3A_346 = tpu.memref_squeeze %dma_start3A_345 : memref<1x1x16xi32, #tpu.memory_space<vmem>> -> memref<16xi32, #tpu.memory_space<vmem>>
      %dma_start3A_347 = arith.constant 0 : i32
      %dma_start3A_348 = arith.constant 0 : i32
      %dma_start3A_349 = tpu.memref_slice %arg3[%dma_start3A_347, %dma_start3A_348] : memref<50304x1024xf32, #tpu.memory_space<hbm>> -> memref<50304x1024xf32, #tpu.memory_space<hbm>>
      tpu.enqueue_indirect_dma source(%dma_start3A_349 : memref<50304x1024xf32, #tpu.memory_space<hbm>>) target(%arg8 : memref<16x1024xf32, #tpu.memory_space<vmem>>) offsets(%dma_start3A_346 : memref<16xi32, #tpu.memory_space<vmem>>) semaphore(%arg14 : memref<!tpu.dma_semaphore, #tpu.memory_space<semaphore_mem>>)
      %dma_wait3A_350 = arith.constant 0 : i32
      %dma_wait3A_351 = tpu.memref_slice %arg4[%mul3A_2, %dma_wait3A_350] : memref<4096x1024xf32, #tpu.memory_space<hbm>> -> memref<16x1024xf32, #tpu.memory_space<hbm>>
      %dma_wait3A_352 = arith.constant 0 : i32
      %dma_wait3A_353 = tpu.memref_slice %arg4[%mul3A_2, %dma_wait3A_352] : memref<4096x1024xf32, #tpu.memory_space<hbm>> -> memref<16x1024xf32, #tpu.memory_space<hbm>>
      tpu.wait_dma2 semaphore(%arg16 : memref<!tpu.dma_semaphore, #tpu.memory_space<semaphore_mem>>) src(%dma_wait3A_353 : memref<16x1024xf32, #tpu.memory_space<hbm>>) dst(%arg10 : memref<16x1024xf32, #tpu.memory_space<vmem>>)
      %parallel_loop3A_354 = arith.constant 0 : i32
      %parallel_loop3A_355 = arith.constant 1024 : i32
      %parallel_loop3A_356 = arith.constant 1 : i32
      scf.for %parallel_loop3A_377 = %parallel_loop3A_354 to %parallel_loop3A_355 step %parallel_loop3A_356  : i32 {
        %parallel_loop3A_378 = arith.constant 64 : i32
        %parallel_loop3A_379 = arith.divsi %parallel_loop3A_377, %parallel_loop3A_378 : i32
        %parallel_loop3A_380 = arith.constant 0 : i32
        %parallel_loop3A_381 = arith.cmpi sgt, %parallel_loop3A_377, %parallel_loop3A_380 : i32
        %parallel_loop3A_382 = arith.extui %parallel_loop3A_381 : i1 to i32
        %parallel_loop3A_383 = arith.constant 0 : i32
        %parallel_loop3A_384 = arith.cmpi slt, %parallel_loop3A_377, %parallel_loop3A_383 : i32
        %parallel_loop3A_385 = arith.extui %parallel_loop3A_384 : i1 to i32
        %parallel_loop3A_386 = arith.subi %parallel_loop3A_382, %parallel_loop3A_385 : i32
        %parallel_loop3A_387 = arith.constant 0 : i32
        %parallel_loop3A_388 = arith.cmpi sgt, %parallel_loop3A_378, %parallel_loop3A_387 : i32
        %parallel_loop3A_389 = arith.extui %parallel_loop3A_388 : i1 to i32
        %parallel_loop3A_390 = arith.constant 0 : i32
        %parallel_loop3A_391 = arith.cmpi slt, %parallel_loop3A_378, %parallel_loop3A_390 : i32
        %parallel_loop3A_392 = arith.extui %parallel_loop3A_391 : i1 to i32
        %parallel_loop3A_393 = arith.subi %parallel_loop3A_389, %parallel_loop3A_392 : i32
        %parallel_loop3A_394 = arith.cmpi ne, %parallel_loop3A_386, %parallel_loop3A_393 : i32
        %parallel_loop3A_395 = arith.remsi %parallel_loop3A_377, %parallel_loop3A_378 : i32
        %parallel_loop3A_396 = arith.constant 0 : i32
        %parallel_loop3A_397 = arith.cmpi ne, %parallel_loop3A_395, %parallel_loop3A_396 : i32
        %parallel_loop3A_398 = arith.andi %parallel_loop3A_394, %parallel_loop3A_397 : i1
        %parallel_loop3A_399 = arith.constant 1 : i32
        %parallel_loop3A_400 = arith.subi %parallel_loop3A_379, %parallel_loop3A_399 : i32
        %parallel_loop3A_401 = arith.select %parallel_loop3A_398, %parallel_loop3A_400, %parallel_loop3A_379 : i32
        %parallel_loop3A_402 = arith.constant 64 : i32
        %parallel_loop3A_403 = arith.constant 0 : i32
        %parallel_loop3A_404 = arith.cmpi eq, %parallel_loop3A_402, %parallel_loop3A_403 : i32
        %parallel_loop3A_405 = arith.constant 1 : i32
        %parallel_loop3A_406 = arith.select %parallel_loop3A_404, %parallel_loop3A_405, %parallel_loop3A_402 : i32
        %parallel_loop3A_407 = arith.remsi %parallel_loop3A_377, %parallel_loop3A_406 : i32
        %parallel_loop3A_408 = arith.constant 0 : i32
        %parallel_loop3A_409 = arith.cmpi ne, %parallel_loop3A_407, %parallel_loop3A_408 : i32
        %parallel_loop3A_410 = arith.constant 0 : i32
        %parallel_loop3A_411 = arith.cmpi slt, %parallel_loop3A_407, %parallel_loop3A_410 : i32
        %parallel_loop3A_412 = arith.constant 0 : i32
        %parallel_loop3A_413 = arith.cmpi slt, %parallel_loop3A_406, %parallel_loop3A_412 : i32
        %parallel_loop3A_414 = arith.xori %parallel_loop3A_411, %parallel_loop3A_413 : i1
        %parallel_loop3A_415 = arith.andi %parallel_loop3A_414, %parallel_loop3A_409 : i1
        %parallel_loop3A_416 = arith.addi %parallel_loop3A_407, %parallel_loop3A_406 : i32
        %parallel_loop3A_417 = arith.select %parallel_loop3A_415, %parallel_loop3A_416, %parallel_loop3A_407 : i32
        %parallel_loop3A_418 = arith.constant 16 : i32
        %parallel_loop3A_419 = arith.muli %parallel_loop3A_417, %parallel_loop3A_418 : i32
        %parallel_loop3A_420 = arith.index_cast %parallel_loop3A_401 : i32 to index
        %parallel_loop3A_421 = arith.index_cast %parallel_loop3A_419 : i32 to index
        %parallel_loop3A_422 = tpu.vector_load %arg12[%parallel_loop3A_420, %parallel_loop3A_421] {strides = array<i32>} : memref<16x1024xf32, #tpu.memory_space<vmem>>, vector<1x16xf32>,
        %parallel_loop3A_423 = vector.shape_cast %parallel_loop3A_422 : vector<1x16xf32> to vector<16xf32>
        %parallel_loop3A_424 = arith.index_cast %parallel_loop3A_401 : i32 to index
        %parallel_loop3A_425 = arith.index_cast %parallel_loop3A_419 : i32 to index
        %parallel_loop3A_426 = tpu.vector_load %arg10[%parallel_loop3A_424, %parallel_loop3A_425] {strides = array<i32>} : memref<16x1024xf32, #tpu.memory_space<vmem>>, vector<1x16xf32>,
        %parallel_loop3A_427 = vector.shape_cast %parallel_loop3A_426 : vector<1x16xf32> to vector<16xf32>
        %parallel_loop3A_428 = vector.shape_cast %parallel_loop3A_423 : vector<16xf32> to vector<1x16xf32>
        tpu.vector_store %arg10[%parallel_loop3A_424, %parallel_loop3A_425], %parallel_loop3A_428 {add = true, strides = array<i32>} : memref<16x1024xf32, #tpu.memory_space<vmem>>, vector<1x16xf32>,
      } {sc.loop_unroll_factor = 8 : i64, sc.parallel_access}
      %add3A_357 = arith.constant 12288 : i32
      %add3A_358 = arith.addi %add3A_357, %mul3A_2 : i32
      %mul3A_359 = arith.constant 16 : i32
      %mul3A_360 = arith.muli %add3A_334, %mul3A_359 : i32
      %add3A_361 = arith.addi %add3A_358, %mul3A_360 : i32
      %dma_start3A_362 = arith.constant 0 : i32
      %dma_start3A_363 = tpu.memref_slice %arg5[%add3A_361, %dma_start3A_362] : memref<16384x1024xf32, #tpu.memory_space<hbm>> -> memref<16x1024xf32, #tpu.memory_space<hbm>>
      %dma_start3A_364 = arith.constant 0 : i32
      %dma_start3A_365 = tpu.memref_slice %arg5[%add3A_361, %dma_start3A_364] : memref<16384x1024xf32, #tpu.memory_space<hbm>> -> memref<16x1024xf32, #tpu.memory_space<hbm>>
      tpu.enqueue_dma source(%arg10 : memref<16x1024xf32, #tpu.memory_space<vmem>>) target(%dma_start3A_365 : memref<16x1024xf32, #tpu.memory_space<hbm>>) target_semaphore(%arg20 : memref<!tpu.dma_semaphore, #tpu.memory_space<semaphore_mem>>)
      %add3A_366 = arith.constant 3 : i32
      %add3A_367 = arith.addi %mul3A_83, %add3A_366 : i32
      %min3A_368 = arith.constant 7 : i32
      %min3A_369 = arith.minsi %add3A_367, %min3A_368 : i32
      %mul3A_370 = arith.constant 16 : i32
      %mul3A_371 = arith.muli %min3A_369, %mul3A_370 : i32
      %add3A_372 = arith.addi %mul3A_2, %mul3A_371 : i32
      %dma_start3A_373 = arith.constant 0 : i32
      %dma_start3A_374 = tpu.memref_slice %arg4[%add3A_372, %dma_start3A_373] : memref<4096x1024xf32, #tpu.memory_space<hbm>> -> memref<16x1024xf32, #tpu.memory_space<hbm>>
      %dma_start3A_375 = arith.constant 0 : i32
      %dma_start3A_376 = tpu.memref_slice %arg4[%add3A_372, %dma_start3A_375] : memref<4096x1024xf32, #tpu.memory_space<hbm>> -> memref<16x1024xf32, #tpu.memory_space<hbm>>
      tpu.enqueue_dma source(%dma_start3A_376 : memref<16x1024xf32, #tpu.memory_space<hbm>>) target(%arg12 : memref<16x1024xf32, #tpu.memory_space<vmem>>) target_semaphore(%arg22 : memref<!tpu.dma_semaphore, #tpu.memory_space<semaphore_mem>>)
    }
    %scan3A_57 = arith.constant 4 : i32
    %dma_wait3A = arith.constant 0 : i32
    %dma_wait3A_58 = tpu.memref_slice %arg4[%mul3A_2, %dma_wait3A] : memref<4096x1024xf32, #tpu.memory_space<hbm>> -> memref<16x1024xf32, #tpu.memory_space<hbm>>
    %dma_wait3A_59 = arith.constant 0 : i32
    %dma_wait3A_60 = tpu.memref_slice %arg4[%mul3A_2, %dma_wait3A_59] : memref<4096x1024xf32, #tpu.memory_space<hbm>> -> memref<16x1024xf32, #tpu.memory_space<hbm>>
    tpu.wait_dma2 semaphore(%arg13 : memref<!tpu.dma_semaphore, #tpu.memory_space<semaphore_mem>>) src(%dma_wait3A_60 : memref<16x1024xf32, #tpu.memory_space<hbm>>) dst(%arg7 : memref<16x1024xf32, #tpu.memory_space<vmem>>)
    %dma_wait3A_61 = arith.constant 0 : i32
    %dma_wait3A_62 = tpu.memref_slice %arg4[%mul3A_2, %dma_wait3A_61] : memref<4096x1024xf32, #tpu.memory_space<hbm>> -> memref<16x1024xf32, #tpu.memory_space<hbm>>
    %dma_wait3A_63 = arith.constant 0 : i32
    %dma_wait3A_64 = tpu.memref_slice %arg4[%mul3A_2, %dma_wait3A_63] : memref<4096x1024xf32, #tpu.memory_space<hbm>> -> memref<16x1024xf32, #tpu.memory_space<hbm>>
    tpu.wait_dma2 semaphore(%arg21 : memref<!tpu.dma_semaphore, #tpu.memory_space<semaphore_mem>>) src(%dma_wait3A_64 : memref<16x1024xf32, #tpu.memory_space<hbm>>) dst(%arg11 : memref<16x1024xf32, #tpu.memory_space<vmem>>)
    %dma_wait3A_65 = arith.constant 0 : i32
    %dma_wait3A_66 = tpu.memref_slice %arg4[%mul3A_2, %dma_wait3A_65] : memref<4096x1024xf32, #tpu.memory_space<hbm>> -> memref<16x1024xf32, #tpu.memory_space<hbm>>
    %dma_wait3A_67 = arith.constant 0 : i32
    %dma_wait3A_68 = tpu.memref_slice %arg4[%mul3A_2, %dma_wait3A_67] : memref<4096x1024xf32, #tpu.memory_space<hbm>> -> memref<16x1024xf32, #tpu.memory_space<hbm>>
    tpu.wait_dma2 semaphore(%arg14 : memref<!tpu.dma_semaphore, #tpu.memory_space<semaphore_mem>>) src(%dma_wait3A_68 : memref<16x1024xf32, #tpu.memory_space<hbm>>) dst(%arg8 : memref<16x1024xf32, #tpu.memory_space<vmem>>)
    %dma_wait3A_69 = arith.constant 0 : i32
    %dma_wait3A_70 = tpu.memref_slice %arg4[%mul3A_2, %dma_wait3A_69] : memref<4096x1024xf32, #tpu.memory_space<hbm>> -> memref<16x1024xf32, #tpu.memory_space<hbm>>
    %dma_wait3A_71 = arith.constant 0 : i32
    %dma_wait3A_72 = tpu.memref_slice %arg4[%mul3A_2, %dma_wait3A_71] : memref<4096x1024xf32, #tpu.memory_space<hbm>> -> memref<16x1024xf32, #tpu.memory_space<hbm>>
    tpu.wait_dma2 semaphore(%arg22 : memref<!tpu.dma_semaphore, #tpu.memory_space<semaphore_mem>>) src(%dma_wait3A_72 : memref<16x1024xf32, #tpu.memory_space<hbm>>) dst(%arg12 : memref<16x1024xf32, #tpu.memory_space<vmem>>)
    %dma_wait3A_73 = arith.constant 0 : i32
    %dma_wait3A_74 = tpu.memref_slice %arg5[%mul3A_2, %dma_wait3A_73] : memref<16384x1024xf32, #tpu.memory_space<hbm>> -> memref<16x1024xf32, #tpu.memory_space<hbm>>
    %dma_wait3A_75 = arith.constant 0 : i32
    %dma_wait3A_76 = tpu.memref_slice %arg5[%mul3A_2, %dma_wait3A_75] : memref<16384x1024xf32, #tpu.memory_space<hbm>> -> memref<16x1024xf32, #tpu.memory_space<hbm>>
    tpu.wait_dma2 semaphore(%arg19 : memref<!tpu.dma_semaphore, #tpu.memory_space<semaphore_mem>>) src(%arg9 : memref<16x1024xf32, #tpu.memory_space<vmem>>) dst(%dma_wait3A_76 : memref<16x1024xf32, #tpu.memory_space<hbm>>)
    %dma_wait3A_77 = arith.constant 0 : i32
    %dma_wait3A_78 = tpu.memref_slice %arg5[%mul3A_2, %dma_wait3A_77] : memref<16384x1024xf32, #tpu.memory_space<hbm>> -> memref<16x1024xf32, #tpu.memory_space<hbm>>
    %dma_wait3A_79 = arith.constant 0 : i32
    %dma_wait3A_80 = tpu.memref_slice %arg5[%mul3A_2, %dma_wait3A_79] : memref<16384x1024xf32, #tpu.memory_space<hbm>> -> memref<16x1024xf32, #tpu.memory_space<hbm>>
    tpu.wait_dma2 semaphore(%arg20 : memref<!tpu.dma_semaphore, #tpu.memory_space<semaphore_mem>>) src(%arg10 : memref<16x1024xf32, #tpu.memory_space<vmem>>) dst(%dma_wait3A_80 : memref<16x1024xf32, #tpu.memory_space<hbm>>)
    return
  }
}

</mosaic_0001>

<sc_bundles>
// kernel: _embed.3.cloned.1.call-start
scs
__scs_entry_jumppad:
0x0: {  	(pc) =	sbr.rel $0x88, $3  }
0x1: {  	(tag) =	ssettag $0x0;
	lr =	simm.s32 $0x1  }
0x2: {  	[smem:$0x3F9E] =	sst lr;
	_ =	strace $0xD0000000  }
0x3: {  	_ = 	snop  }
0x4: {  	_ = 	snop  }
0x5: {  	_ = 	snop  }
0x6: {  	_ = 	snop  }
0x7: {  	_ = 	snop  }
__scs_overlays_trampoline_lowered:
0x8: {  	[smem:$0x3FAD] =	sst s0  }
0x9: {  	[smem:$0x3FAE] =	sst s1  }
0xa: {  	[smem:$0x3FAF] =	sst s2  }
0xb: {  	[smem:$0x3FB0] =	sst s3  }
0xc: {  	[smem:$0x3FB1] =	sst s4  }
0xd: {  	[smem:$0x3FB2] =	sst s5  }
0xe: {  	[smem:$0x3FB3] =	sst s6  }
0xf: {  	[smem:$0x3FB4] =	sst s7  }
0x10: {  	[smem:$0x3FB5] =	sst s8  }
0x11: {  	[smem:$0x3FB6] =	sst s9;
	s0 =	simm.s32 @!p0 $0x0  }
0x12: {  	s1 =	sld [smem:$0x3F9C];
	s0 =	simm.s32 @p0 $0x1  }
0x13: {  	[smem:$0x3FB7] =	sst s0;
	s0 =	simm.s32 @!p1 $0x0  }
0x14: {  	s2 =	sld [smem:$0x3F9B];
	s0 =	simm.s32 @p1 $0x1  }
0x15: {  	[smem:$0x3FB8] =	sst s0;
	s0 =	simm.s32 @!p2 $0x0  }
0x16: {  	s3 =	sld [smem:$0x3FDB];
	s0 =	simm.s32 @p2 $0x1  }
0x17: {  	s4 =	simm.s32 $0x1BF5;
	[smem:$0x3FBA] =	sst s0  }
0x18: {  	s0 =	sld [smem:$0x3F9D];
	_ =	swait.ge [sflag:s4], $0x0  }
0x19: {  	s7 =	sld [smem:$0x3F9E]  }
0x1a: {  	s8 =	sadd.s32 $0xFFFFE003, lr  }
0x1b: {  	s9 =	sadd.s32 $0xFFFFFEF7, lr;
	s5 =	simm.s32 $0xFFFFFFFF;
	p2 =	slt.u32 s8, $0xFFFFF086  }
0x1c: {  	p1 =	slt.u32 s9, $0xF7A;
	s5 =	simm.s32 @!p2 $0x0  }
0x1d: {  	s5 =	simm.s32 @p1 $0x1;
	p0 =	seq.s32 s7, s2  }
0x1e: {  	s7 =	smul.u32 @!p0 $0xF7A, s2;
	p2 =	seq.s32 @!p0 s5, $0x0  }
0x1f: {  	s9 =	smul.u32 $0xF7A, s1;
	s8 =	simm.s32 @!p0 $0x1BF5;
	p2 =	por !p2, p0  }
0x20: {  	[sflag:s8] =	ssyncset.s32 @!p0 $0xFFFFF086;
	s6 =	sadd.s32 @!p0 s3, s7;
	s7 =	simm.s32 @!p0 $0x108  }
0x21: {  	s3 =	sadd.s32 s3, s9;
	s6 =	sadd.s32 @!p0 $0x88, s6;
	s7 =	simm.s32 @p2 $0x1082  }
0x22: {  	[simem:s7], [sflag:s8] =	dma.local @!p0 [hbm:s6], $0xF7A  }
0x23: {  	s9 =	sor.u32 $0xD0000000, s2;
	s6 =	simm.s32 $0x108;
	_ =	swait.ge @!p0 [sflag:s8], $0x0  }
0x24: {  	s3 =	sadd.s32 $0x88, s3;
	s6 =	simm.s32 @!p1 $0x1082;
	[sflag:s4] =	ssyncset.s32 $0xFFFFF086  }
0x25: {  	[simem:s6], [sflag:s4] =	dma.local [hbm:s3], $0xF7A  }
0x26: {  	[smem:$0x3F9E] =	sst s1;
	(tag) =	ssettag s2;
	_ =	strace s9  }
0x27: {  	s1 =	sld [smem:$0x3FAE]  }
0x28: {  	s2 =	sld [smem:$0x3FAF]  }
0x29: {  	s4 =	sld [smem:$0x3FB1]  }
0x2a: {  	p0 =	seq.s32 s5, $0x0;
	s5 =	sld [smem:$0x3FB2]  }
0x2b: {  	s6 =	sld [smem:$0x3FB3]  }
0x2c: {  	s7 =	sld [smem:$0x3FB4]  }
0x2d: {  	s3 =	simm.s32 $0x108;
	s8 =	sld [smem:$0x3FB5]  }
0x2e: {  	s3 =	simm.s32 @!p0 $0x1082;
	s9 =	sld [smem:$0x3FB6]  }
0x2f: {  	lr =	sadd.s32 s0, s3;
	s0 =	sld [smem:$0x3FAD]  }
0x30: {  	s3 =	sld [smem:$0x3FB0]  }
0x31: {  	[smem:$0x3FB9] =	sst s10  }
0x32: {  	s10 =	sld [smem:$0x3FB7];
	_ =	sdelay $0x3  }
0x33: {  	p0 =	seq.s32 s10, $0x1;
	s10 =	sld [smem:$0x3FB9];
	_ =	sdelay $0x3  }
0x34: {  	[smem:$0x3FB9] =	sst s10  }
0x35: {  	s10 =	sld [smem:$0x3FB8];
	_ =	sdelay $0x3  }
0x36: {  	p1 =	seq.s32 s10, $0x1;
	s10 =	sld [smem:$0x3FB9];
	_ =	sdelay $0x3  }
0x37: {  	[smem:$0x3FB9] =	sst s10  }
0x38: {  	s10 =	sld [smem:$0x3FBA]  }
0x39: {  	_ = 	snop;
	(pc) =	sbr.ind lr, $3  }
0x3a: {  	_ = 	snop  }
0x3b: {  	_ = 	snop  }
0x3c: {  	p2 =	seq.s32 s10, $0x1;
	s10 =	sld [smem:$0x3FB9]  }
0x3d: {  	_ =	shalt  }
0x3e: {  	_ =	shalt  }
0x3f: {  	_ =	shalt  }
0x40: {  	_ =	shalt  }
0x41: {  	_ =	shalt  }
0x42: {  	_ =	shalt  }
0x43: {  	_ =	shalt  }
0x44: {  	_ =	shalt  }
0x45: {  	_ =	shalt  }
0x46: {  	_ =	shalt  }
0x47: {  	_ =	shalt  }
0x48: {  	_ =	shalt  }
0x49: {  	_ =	shalt  }
0x4a: {  	_ =	shalt  }
0x4b: {  	_ =	shalt  }
0x4c: {  	_ =	shalt  }
0x4d: {  	_ =	shalt  }
0x4e: {  	_ =	shalt  }
0x4f: {  	_ =	shalt  }
0x50: {  	_ =	shalt  }
0x51: {  	_ =	shalt  }
0x52: {  	_ =	shalt  }
0x53: {  	_ =	shalt  }
0x54: {  	_ =	shalt  }
0x55: {  	_ =	shalt  }
0x56: {  	_ =	shalt  }
0x57: {  	_ =	shalt  }
0x58: {  	_ =	shalt  }
0x59: {  	_ =	shalt  }
0x5a: {  	_ =	shalt  }
0x5b: {  	_ =	shalt  }
0x5c: {  	_ =	shalt  }
0x5d: {  	_ =	shalt  }
0x5e: {  	_ =	shalt  }
0x5f: {  	_ =	shalt  }
0x60: {  	_ =	shalt  }
0x61: {  	_ =	shalt  }
0x62: {  	_ =	shalt  }
0x63: {  	_ =	shalt  }
0x64: {  	_ =	shalt  }
0x65: {  	_ =	shalt  }
0x66: {  	_ =	shalt  }
0x67: {  	_ =	shalt  }
0x68: {  	_ =	shalt  }
0x69: {  	_ =	shalt  }
0x6a: {  	_ =	shalt  }
0x6b: {  	_ =	shalt  }
0x6c: {  	_ =	shalt  }
0x6d: {  	_ =	shalt  }
0x6e: {  	_ =	shalt  }
0x6f: {  	_ =	shalt  }
0x70: {  	_ =	shalt  }
0x71: {  	_ =	shalt  }
0x72: {  	_ =	shalt  }
0x73: {  	_ =	shalt  }
0x74: {  	_ =	shalt  }
0x75: {  	_ =	shalt  }
0x76: {  	_ =	shalt  }
0x77: {  	_ =	shalt  }
0x78: {  	_ =	shalt  }
0x79: {  	_ =	shalt  }
0x7a: {  	_ =	shalt  }
0x7b: {  	_ =	shalt  }
0x7c: {  	_ =	shalt  }
0x7d: {  	_ =	shalt  }
0x7e: {  	_ =	shalt  }
0x7f: {  	_ =	shalt  }
0x80: {  	_ =	shalt  }
0x81: {  	_ =	shalt  }
0x82: {  	_ =	shalt  }
0x83: {  	_ =	shalt  }
0x84: {  	_ =	shalt  }
0x85: {  	_ =	shalt  }
0x86: {  	_ =	shalt  }
0x87: {  	_ =	shalt  }
.Lfunc_end0:
.L_simem_size_0:
called_computation_lowered:
.L_overlay_start_0:
0x88: {  	s2 =	sld [smem:$0x3FD9]  }
0x89: {  	s3 =	sld [smem:$0x3FFE];
	_ =	sdelay $0x1  }
0x8a: {  	s1 =	srdreg.scid  }
0x8b: {  	s0 =	sand.u32 $0x1, s1  }
0x8c: {  	s17 =	sshll.u32 s0, $0xA;
	s2 =	sadd.s32 s3, s2  }
0x8d: {  	s2 =	sadd.s32 s2, s17  }
0x8e: {  	[smem:$0x3FC5] =	sst s2  }
0x8f: {  	_ = 	snop  }
0x90: {  	s2 =	sld [smem:$0x3FC8]  }
0x91: {  	s18 =	sld [smem:$0x3FC7]  }
0x92: {  	s4 =	sld [smem:$0x3FD0];
	(tm) =	ssettm $0x1  }
0x93: {  	s5 =	sld [smem:$0x3FFB];
	_ =	sdelay $0x3  }
0x94: {  	_ =	strace s5  }
0x95: {  	s5 =	sld [smem:$0x3FFC];
	_ =	sdelay $0x3  }
0x96: {  	_ =	strace s5  }
0x97: {  	s5 =	sld [smem:$0x3FFD];
	_ =	sdelay $0x3  }
0x98: {  	_ =	strace s5  }
0x99: {  	_ =	strace $0x8FFFFFFF  }
0x9a: {  	s19 =	sld [smem:$0x3FDB];
	_ =	sdelay $0x1  }
0x9b: {  	s6 =	simm.s32 $_scs_section_size  }
0x9c: {  	s7 =	simm.s32 $_size__tile_overlayer_lowered;
	s8 =	simm.s32 $_tile_overlayer_lowered  }
0x9d: {  	s22 =	simm.s32 $0x1BFF;
	s21 =	sshll.u32 s8, $0x1;
	s5 =	sadd.s32 s6, s19  }
0x9e: {  	s9 =	simm.s32 $0x0;
	s20 =	sshll.u32 s7, $0x1;
	s7 =	sadd.s32 s21, s5  }
0x9f: {  	[timem:s9], [sflag:s22] =	dma.local [hbm:s7], s20  }
0xa0: {  	_ =	swait.ge [sflag:s22], s20  }
0xa1: {  	s6 =	ssub.s32 $0x0, s20;
	[sflag:s22] =	ssyncset.done $0x0  }
0xa2: {  	[sflag:s22] =	ssyncadd.s32 s6;
	_ =	sdelay $0x1  }
0xa3: {  	s23 =	simm.s32 $0x1B8B  }
0xa4: {  	_ =	swait.ge [sflag:s23], $0x1  }
0xa5: {  	[sflag:s23] =	ssyncset.done $0x0  }
0xa6: {  	s25 =	simm.s32 $0x1B8E;
	s24 =	sld [smem:$0x3FFE];
	[sflag:s23] =	ssyncadd.s32 $0xFFFFFFFF  }
0xa7: {  	s26 =	simm.s32 $execute0_lowered;
	[smem:$0x3FD2] =	sst s25  }
0xa8: {  	s7 =	sshll.u32 s26, $0x1;
	_ =	strace $0x80000046;
	[dreg:$0x1] =	wrdreg $0xFFFFFFFF  }
0xa9: {  	s28 =	simm.s32 $_size_execute0_lowered;
	s5 =	sadd.s32 s5, s7;
	[dreg:$0x0] =	wrdreg $0x0  }
0xaa: {  	s7 =	sshll.u32 s28, $0x1;
	[dreg:$0x2] =	wrdreg s5  }
0xab: {  	[dreg:$0x3] =	wrdreg s7  }
0xac: {  	[dreg:$0x4] =	wrdreg $0xC0  }
0xad: {  	_ =	task [dreg:s9], $0x5FFFF  }
0xae: {  	[dreg:$0x1] =	wrdreg $0xFFFFFFFF  }
0xaf: {  	[dreg:$0x0] =	wrdreg $0x60  }
0xb0: {  	[dreg:$0x2] =	wrdreg s24  }
0xb1: {  	[dreg:$0x3] =	wrdreg s2  }
0xb2: {  	[dreg:$0x4] =	wrdreg s18  }
0xb3: {  	[dreg:$0x5] =	wrdreg s4  }
0xb4: {  	[dreg:$0x6] =	wrdreg $0x9  }
0xb5: {  	_ =	task.clear_ibuf [dreg:s9], $0x7FFFF;
	_ =	strace $0x90000046  }
0xb6: {  	s29 =	simm.s32 $0x9;
	_ =	strace $0x80000048  }
0xb7: {  	_ =	swait.ge [sflag:s29], $0x1  }
0xb8: {  	[sflag:s29] =	ssyncadd.s32 $0xFFFFFFFF  }
0xb9: {  	_ =	strace $0x90000048  }
0xba: {  	_ =	sfence  }
0xbb: {  	s30 =	sld [smem:$0x0];
	_ =	sdelay $0x2  }
0xbc: {  	s31 =	sshll.u32 s1, $0xD;
	s1 =	sshrl.u32 s1, $0x2  }
0xbd: {  	s3 =	sand.u32 $0x4000, s31;
	s1 =	sadd.s32 s1, s30  }
0xbe: {  	s0 =	sor.u32 s3, s0;
	s1 =	sshll.u32 s1, $0x11  }
0xbf: {  	s0 =	sor.u32 s1, s0  }
0xc0: {  	s0 =	sadd.s32 $0x8F2B, s0  }
0xc1: {  	[sflag:s0] =	ssyncadd.remote.s32 $0x1  }
0xc2: {  	_ =	sfence.sel $0xFFFF  }
0xc3: {  	[dreg:$0x0] =	wrdreg $0xFFFFFFFF;
	(pc) =	sbr.abs _section_cstart, $3  }
0xc4: {  	[dreg:$0x1] =	wrdreg $0xFFFFFFFF  }
0xc5: {  	_ =	task.clear_ibuf [dreg:s9], $0x2FFFF;
	_ =	strace $0x9FFFFFFF  }
0xc6: {  	(tm) =	ssettm $0x7FFFFFFF  }
0xc7: {  	_ =	shalt  }
tec
execute0_lowered:
.L_overlay_start_1:
0x0: {  	(tag) =	ssettag $0x1  }
0x1: {  	s0 =	rddreg [dreg:$0x0]  }
0x2: {  	s2 =	rddreg [dreg:$0x1]  }
0x3: {  	s1 =	rddreg [dreg:$0x2]  }
0x4: {  	s3 =	rddreg [dreg:$0x3]  }
0x5: {  	s4 =	srdreg.scid;
	s5 =	stileid.u32;
	s7 =	simm.s32 $0x0  }
0x6: {  	s29 =	simm.s32 $0x5000;
	s19 =	simm.s32 $0x9000;
	s15 =	simm.s32 $0xD000  }
0x7: {  	s17 =	simm.s32 $0x7;
	s28 =	simm.s32 $0x1;
	s13 =	simm.s32 $0x4  }
0x8: {  	s4 =	sand.u32 $0x1, s4;
	s5 =	sshll.u32 s5, $0x1;
	[smem:$0x7FF] =	sst s7  }
0x9: {  	s7 =	sadd.s32 $0x100, s2;
	s8 =	sadd.s32 $0x200, s2;
	s9 =	sadd.s32 $0x300, s2  }
0xa: {  	s6 =	sor.u32 s4, s5;
	s4 =	ssub.s32 $0x2, s4;
	_ =	strace $0x80000047  }
0xb: {  	s5 =	sshll.u32 s6, $0x9;
	s20 =	sshrl.u32 s4, $0x1;
	s21 =	sshll.u32 s6, $0x7  }
0xc: {  	s22 =	sshll.u32 s6, $0xE;
	s0 =	sadd.s32 s5, s0;
	s4 =	ssub.s32 s4, s20  }
0xd: {  	s6 =	sadd.s32 s1, s22;
	s23 =	sor.u32 $0x2000, s21;
	s24 =	sor.u32 $0x3000, s21  }
0xe: {  	s11 =	smov.u32 s21;
	s26 =	sor.u32 $0x1000, s21;
	s20 =	simm.s32 $0x1000  }
0xf: {  	s21 =	simm.s32 $0x8;
	s0 =	sadd.s32 $0x400, s0;
	[dreg:$0xa] =	wrdreg s26  }
0x10: {  	s10 =	sadd.s32 $0x800, s6;
	s12 =	smov.u32 s23;
	[dreg:$0x6] =	wrdreg s6  }
0x11: {  	s16 =	smov.u32 s24;
	s1 =	sshll.u32 s24, $0x7;
	[dreg:$0x5] =	wrdreg s0  }
0x12: {  	s30 =	sadd.s32 $0x1800, s6;
	s31 =	smax.u32 s4, $0x1;
	[dreg:$0x7] =	wrdreg s10  }
0x13: {  	s6 =	simm.s32 $0x3;
	s26 =	simm.s32 $0x6;
	[dreg:$0xb] =	wrdreg s30  }
0x14: {  	v2 =	vlaneseq.u32;
	s0 =	sshll.u32 s23, $0x7;
	s25 =	sadd.s32 s3, s1;
	[dreg:$0xc] =	wrdreg s31  }
0x15: {  	vm0 =	vmmov $0xffff;
	v1 =	vshrl.u32 v2, $0x3;
	s4 =	simm.s32 $0x0;
	s0 =	sadd.s32 s3, s0;
	[dreg:$0x9] =	wrdreg s25  }
0x16: {  	v0 =	vand.u32 $0x7, v2;
	v2 =	vor.u32 $0x8, v2;
	v1 =	vmul.u32 $0x8, v1;
	s1 =	simm.s32 $0x2;
	s25 =	simm.s32 $0x5;
	[dreg:$0x8] =	wrdreg s0  }
.LBB2_1:
0x17: {  	[dreg:$0xd] =	wrdreg s4  }
0x18: {  	s0 =	simm.s32 $0x0;
	s24 =	rddreg [dreg:$0x5];
	s30 =	simm.s32 $0xB  }
0x19: {  	[tilespmem:s0], [sflag:$0xB] =	stream.linear.gather [hbm4b:s24+s0], $0x1000, $0x38;
	[tilespmem:$0x19000] =	vst v63  }
0x1a: {  	_ =	swait.ge [sflag:s30], $0x1000  }
0x1b: {  	[sflag:s30] =	ssyncset.done $0x0  }
0x1c: {  	[sflag:s30] =	ssyncadd.s32 $0xFFFFF000  }
0x1d: {  	v3 =	vld [tilespmem:$0x0];
	_ =	sdelay $0x4  }
0x1e: {  	v4 =	vshll.u32 v3, $0x3  }
0x1f: {  	v3 =	vand.u32 $0x7, v3;
	v4 =	vand.u32 $0xFFFFFFC0, v4  }
0x20: {  	v3 =	vor.u32 v3, v4  }
0x21: {  	v4 =	vperm.xlane v3, v0;
	_ =	sdelay $0x1  }
0x22: {  	v4 =	vadd.s32 v1, v4;
	_ =	sdelay $0x4  }
0x23: {  	[tilespmem:s20], [sflag:$0x1] =	stream.indirect_vreg.gather [hbm4b:s2+s0], $0x80, v4, vm0, $0xb8;
	[tilespmem:$0x19000] =	vst v63  }
0x24: {  	s31 =	simm.s32 $0x1800;
	v3 =	vperm.xlane v3, v2  }
0x25: {  	[tilespmem:s31], [sflag:$0x1] =	stream.indirect_vreg.gather [hbm4b:s7+s0], $0x80, v4, vm0, $0xb8;
	[tilespmem:$0x19000] =	vst v63  }
0x26: {  	s5 =	simm.s32 $0x2000;
	v3 =	vadd.s32 v1, v3  }
0x27: {  	[tilespmem:s5], [sflag:$0x1] =	stream.indirect_vreg.gather [hbm4b:s8+s0], $0x80, v4, vm0, $0xb8;
	[tilespmem:$0x19000] =	vst v63  }
0x28: {  	s10 =	simm.s32 $0x2800  }
0x29: {  	[tilespmem:s10], [sflag:$0x1] =	stream.indirect_vreg.gather [hbm4b:s9+s0], $0x80, v4, vm0, $0xb8;
	[tilespmem:$0x19000] =	vst v63  }
0x2a: {  	s14 =	simm.s32 $0x3000  }
0x2b: {  	[tilespmem:s14], [sflag:$0x1] =	stream.indirect_vreg.gather [hbm4b:s2+s0], $0x80, v3, vm0, $0xb8;
	[tilespmem:$0x19000] =	vst v63  }
0x2c: {  	s18 =	simm.s32 $0x3800  }
0x2d: {  	[tilespmem:s18], [sflag:$0x1] =	stream.indirect_vreg.gather [hbm4b:s7+s0], $0x80, v3, vm0, $0xb8;
	[tilespmem:$0x19000] =	vst v63  }
0x2e: {  	s22 =	simm.s32 $0x4000  }
0x2f: {  	[tilespmem:s22], [sflag:$0x1] =	stream.indirect_vreg.gather [hbm4b:s8+s0], $0x80, v3, vm0, $0xb8;
	[tilespmem:$0x19000] =	vst v63  }
0x30: {  	s23 =	simm.s32 $0x4800  }
0x31: {  	[tilespmem:s23], [sflag:$0x1] =	stream.indirect_vreg.gather [hbm4b:s9+s0], $0x80, v3, vm0, $0xb8;
	[tilespmem:$0x19000] =	vst v63  }
0x32: {  	v3 =	vld [tilespmem:$0x80];
	_ =	sdelay $0x4  }
0x33: {  	v63 =	vshll.u32 v3, $0x3  }
0x34: {  	v3 =	vand.u32 $0x7, v3;
	v4 =	vand.u32 $0xFFFFFFC0, v63  }
0x35: {  	v3 =	vor.u32 v3, v4  }
0x36: {  	v4 =	vperm.xlane v3, v0;
	_ =	sdelay $0x1  }
0x37: {  	v4 =	vadd.s32 v1, v4;
	_ =	sdelay $0x4  }
0x38: {  	[tilespmem:s29], [sflag:$0x2] =	stream.indirect_vreg.gather [hbm4b:s2+s0], $0x80, v4, vm0, $0xb8;
	[tilespmem:$0x19000] =	vst v63  }
0x39: {  	s24 =	simm.s32 $0x5800;
	v3 =	vperm.xlane v3, v2  }
0x3a: {  	[tilespmem:s24], [sflag:$0x2] =	stream.indirect_vreg.gather [hbm4b:s7+s0], $0x80, v4, vm0, $0xb8;
	[tilespmem:$0x19000] =	vst v63  }
0x3b: {  	s30 =	simm.s32 $0x6000;
	v3 =	vadd.s32 v1, v3  }
0x3c: {  	[tilespmem:s30], [sflag:$0x2] =	stream.indirect_vreg.gather [hbm4b:s8+s0], $0x80, v4, vm0, $0xb8;
	[tilespmem:$0x19000] =	vst v63  }
0x3d: {  	s31 =	simm.s32 $0x6800  }
0x3e: {  	[tilespmem:s31], [sflag:$0x2] =	stream.indirect_vreg.gather [hbm4b:s9+s0], $0x80, v4, vm0, $0xb8;
	[tilespmem:$0x19000] =	vst v63  }
0x3f: {  	s5 =	simm.s32 $0x7000  }
0x40: {  	[tilespmem:s5], [sflag:$0x2] =	stream.indirect_vreg.gather [hbm4b:s2+s0], $0x80, v3, vm0, $0xb8;
	[tilespmem:$0x19000] =	vst v63  }
0x41: {  	s10 =	simm.s32 $0x7800  }
0x42: {  	[tilespmem:s10], [sflag:$0x2] =	stream.indirect_vreg.gather [hbm4b:s7+s0], $0x80, v3, vm0, $0xb8;
	[tilespmem:$0x19000] =	vst v63  }
0x43: {  	s14 =	simm.s32 $0x8000  }
0x44: {  	[tilespmem:s14], [sflag:$0x2] =	stream.indirect_vreg.gather [hbm4b:s8+s0], $0x80, v3, vm0, $0xb8;
	[tilespmem:$0x19000] =	vst v63  }
0x45: {  	s18 =	simm.s32 $0x8800  }
0x46: {  	[tilespmem:s18], [sflag:$0x2] =	stream.indirect_vreg.gather [hbm4b:s9+s0], $0x80, v3, vm0, $0xb8;
	[tilespmem:$0x19000] =	vst v63  }
0x47: {  	s22 =	rddreg [dreg:$0x6];
	s5 =	simm.s32 $0x11000  }
0x48: {  	[tilespmem:s5], [sflag:$0x9] =	stream.linear.gather [hbm4b:s22+s0], $0x4000, $0x38;
	[tilespmem:$0x19000] =	vst v63  }
0x49: {  	s23 =	rddreg [dreg:$0x7];
	s24 =	simm.s32 $0x15000  }
0x4a: {  	[tilespmem:s24], [sflag:$0xA] =	stream.linear.gather [hbm4b:s23+s0], $0x4000, $0x38;
	[tilespmem:$0x19000] =	vst v63  }
0x4b: {  	s30 =	rddreg [dreg:$0x8]  }
0x4c: {  	[hbm4b:s30+s0] =	stream.linear.scatter [tilespmem:s19], [sflag:$0x7], $0x4000, $0x38;
	[tilespmem:$0x19000] =	vst v63  }
0x4d: {  	s31 =	rddreg [dreg:$0x9];
	s22 =	simm.s32 $0x0  }
0x4e: {  	[hbm4b:s31+s0] =	stream.linear.scatter [tilespmem:s15], [sflag:$0x8], $0x4000, $0x38;
	[tilespmem:$0x19000] =	vst v63  }
.LBB2_2:
0x4f: {  	s0 =	simm.s32 $0x9  }
0x50: {  	_ =	swait.ge [sflag:s0], $0x4000  }
0x51: {  	[sflag:s0] =	ssyncset.done $0x0  }
0x52: {  	[sflag:s0] =	ssyncadd.s32 $0xFFFFC000  }
0x53: {  	_ =	swait.ge [sflag:s17], $0x4000  }
0x54: {  	s30 =	sshll.u32 s22, $0xA;
	[sflag:s17] =	ssyncset.done $0x0  }
0x55: {  	s23 =	sand.u32 $0x3FFFFC00, s30;
	[sflag:s17] =	ssyncadd.s32 $0xFFFFC000  }
0x56: {  	v3 =	vld [tilespmem:s23+$0x100];
	_ =	sdelay $0x4  }
0x57: {  	v4 =	vshll.u32 v3, $0x3  }
0x58: {  	v3 =	vand.u32 $0x7, v3;
	v4 =	vand.u32 $0xFFFFFFC0, v4  }
0x59: {  	v3 =	vor.u32 v3, v4  }
0x5a: {  	v4 =	vperm.xlane v3, v0;
	_ =	sdelay $0x1  }
0x5b: {  	v4 =	vadd.s32 v1, v4;
	_ =	sdelay $0x3  }
0x5c: {  	s0 =	simm.s32 $0x0  }
0x5d: {  	[tilespmem:s19], [sflag:$0x3] =	stream.indirect_vreg.gather [hbm4b:s2+s0], $0x80, v4, vm0, $0xb8;
	[tilespmem:$0x19000] =	vst v63  }
0x5e: {  	s4 =	simm.s32 $0x9800;
	v3 =	vperm.xlane v3, v2  }
0x5f: {  	[tilespmem:s4], [sflag:$0x3] =	stream.indirect_vreg.gather [hbm4b:s7+s0], $0x80, v4, vm0, $0xb8;
	[tilespmem:$0x19000] =	vst v63  }
0x60: {  	s31 =	simm.s32 $0xA000;
	v3 =	vadd.s32 v1, v3  }
0x61: {  	[tilespmem:s31], [sflag:$0x3] =	stream.indirect_vreg.gather [hbm4b:s8+s0], $0x80, v4, vm0, $0xb8;
	[tilespmem:$0x19000] =	vst v63  }
0x62: {  	s5 =	simm.s32 $0xA800  }
0x63: {  	[tilespmem:s5], [sflag:$0x3] =	stream.indirect_vreg.gather [hbm4b:s9+s0], $0x80, v4, vm0, $0xb8;
	[tilespmem:$0x19000] =	vst v63  }
0x64: {  	s10 =	simm.s32 $0xB000  }
0x65: {  	[tilespmem:s10], [sflag:$0x3] =	stream.indirect_vreg.gather [hbm4b:s2+s0], $0x80, v3, vm0, $0xb8;
	[tilespmem:$0x19000] =	vst v63  }
0x66: {  	s14 =	simm.s32 $0xB800  }
0x67: {  	[tilespmem:s14], [sflag:$0x3] =	stream.indirect_vreg.gather [hbm4b:s7+s0], $0x80, v3, vm0, $0xb8;
	[tilespmem:$0x19000] =	vst v63  }
0x68: {  	s18 =	simm.s32 $0xC000;
	s30 =	simm.s32 $0x0  }
0x69: {  	[tilespmem:s18], [sflag:$0x3] =	stream.indirect_vreg.gather [hbm4b:s8+s0], $0x80, v3, vm0, $0xb8;
	[tilespmem:$0x19000] =	vst v63  }
0x6a: {  	s24 =	simm.s32 $0xC800;
	s4 =	sand.u32 $0x2000, s30  }
0x6b: {  	[tilespmem:s24], [sflag:$0x3] =	stream.indirect_vreg.gather [hbm4b:s9+s0], $0x80, v3, vm0, $0xb8;
	[tilespmem:$0x19000] =	vst v63  }
0x6c: {  	s10 =	sand.u32 $0x1C00, s0;
	s24 =	simm.s32 $0x0;
	_ =	swait.ge [sflag:s28], $0x4000  }
0x6d: {  	s4 =	sor.u32 s10, s4;
	s31 =	sand.u32 $0x380, s24;
	[sflag:s28] =	ssyncset.done $0x0  }
0x6e: {  	s24 =	sor.u32 s31, s4;
	[sflag:s28] =	ssyncadd.s32 $0xFFFFC000  }
0x6f: {  	v3 =	vld [tilespmem:s24+$0x11070]  }
0x70: {  	v8 =	vld [tilespmem:s24+$0x11000]  }
0x71: {  	v9 =	vld [tilespmem:s24+$0x11010]  }
0x72: {  	v7 =	vld [tilespmem:s24+$0x11020]  }
0x73: {  	v6 =	vld [tilespmem:s24+$0x11030]  }
0x74: {  	v5 =	vld [tilespmem:s24+$0x11040]  }
0x75: {  	v4 =	vld [tilespmem:s24+$0x11050]  }
0x76: {  	[tilespmem:s24+$0x1070] =	vst.add.f32.msk $0xffff, v3  }
0x77: {  	v3 =	vld [tilespmem:s24+$0x11060]  }
0x78: {  	[tilespmem:s24+$0x1000] =	vst.add.f32.msk $0xffff, v8  }
0x79: {  	s10 =	simm.s32 $0x0;
	[tilespmem:s24+$0x1010] =	vst.add.f32.msk $0xffff, v9  }
.LBB2_3:
0x7a: {  	s10 =	sadd.s32 $0x8, s10;
	[tilespmem:s24+$0x1020] =	vst.add.f32.msk $0xffff, v7  }
0x7b: {  	s0 =	sadd.s32 $0x400, s0;
	s4 =	sshll.u32 s10, $0x4;
	p0 =	slt.u32 s10, $0x3F8;
	[tilespmem:s24+$0x1030] =	vst.add.f32.msk $0xffff, v6  }
0x7c: {  	s30 =	sand.u32 $0x1C00, s0;
	s31 =	sshll.u32 s10, $0x1;
	s4 =	sand.u32 $0x2000, s4;
	[tilespmem:s24+$0x1040] =	vst.add.f32.msk $0xffff, v5  }
0x7d: {  	s4 =	sor.u32 s30, s4;
	s30 =	sand.u32 $0x380, s31;
	[tilespmem:s24+$0x1050] =	vst.add.f32.msk $0xffff, v4  }
0x7e: {  	[tilespmem:s24+$0x1060] =	vst.add.f32.msk $0xffff, v3;
	s24 =	sor.u32 s30, s4  }
0x7f: {  	v3 =	vld [tilespmem:s24+$0x11070]  }
0x80: {  	v8 =	vld [tilespmem:s24+$0x11000]  }
0x81: {  	v9 =	vld [tilespmem:s24+$0x11010]  }
0x82: {  	v7 =	vld [tilespmem:s24+$0x11020]  }
0x83: {  	v6 =	vld [tilespmem:s24+$0x11030]  }
0x84: {  	[tilespmem:s24+$0x1070] =	vst.add.f32.msk $0xffff, v3  }
.Ltmp0:
0x85: {  	v5 =	vld [tilespmem:s24+$0x11040];
	(pc) =	sbr.rel @p0 .LBB2_3-.Ltmp0, $4  }
0x86: {  	v4 =	vld [tilespmem:s24+$0x11050]  }
0x87: {  	v3 =	vld [tilespmem:s24+$0x11060]  }
0x88: {  	[tilespmem:s24+$0x1000] =	vst.add.f32.msk $0xffff, v8  }
0x89: {  	[tilespmem:s24+$0x1010] =	vst.add.f32.msk $0xffff, v9  }
0x8a: {  	[tilespmem:s24+$0x1020] =	vst.add.f32.msk $0xffff, v7  }
0x8b: {  	[tilespmem:s24+$0x1030] =	vst.add.f32.msk $0xffff, v6;
	s31 =	sshll.u32 s22, $0x5  }
0x8c: {  	[tilespmem:s24+$0x1040] =	vst.add.f32.msk $0xffff, v5;
	s0 =	sadd.s32 s11, s31  }
0x8d: {  	[tilespmem:s24+$0x1050] =	vst.add.f32.msk $0xffff, v4;
	s0 =	sshll.u32 s0, $0x7  }
0x8e: {  	[tilespmem:s24+$0x1060] =	vst.add.f32.msk $0xffff, v3;
	s4 =	sadd.s32 s3, s0;
	s0 =	simm.s32 $0x0  }
0x8f: {  	[hbm4b:s4+s0] =	stream.linear.scatter [tilespmem:s20], [sflag:$0x5], $0x4000, $0x38;
	[tilespmem:$0x19000] =	vst v63  }
0x90: {  	_ =	swait.ge [sflag:s21], $0x4000  }
0x91: {  	[sflag:s21] =	ssyncset.done $0x0  }
0x92: {  	[sflag:s21] =	ssyncadd.s32 $0xFFFFC000  }
0x93: {  	v3 =	vld [tilespmem:s23+$0x180];
	_ =	sdelay $0x4  }
0x94: {  	v4 =	vshll.u32 v3, $0x3  }
0x95: {  	v3 =	vand.u32 $0x7, v3;
	v4 =	vand.u32 $0xFFFFFFC0, v4  }
0x96: {  	v3 =	vor.u32 v3, v4  }
0x97: {  	v4 =	vperm.xlane v3, v0;
	_ =	sdelay $0x1  }
0x98: {  	v4 =	vadd.s32 v1, v4;
	_ =	sdelay $0x4  }
0x99: {  	[tilespmem:s15], [sflag:$0x4] =	stream.indirect_vreg.gather [hbm4b:s2+s0], $0x80, v4, vm0, $0xb8;
	[tilespmem:$0x19000] =	vst v63  }
0x9a: {  	s23 =	simm.s32 $0xD800;
	v3 =	vperm.xlane v3, v2  }
0x9b: {  	[tilespmem:s23], [sflag:$0x4] =	stream.indirect_vreg.gather [hbm4b:s7+s0], $0x80, v4, vm0, $0xb8;
	[tilespmem:$0x19000] =	vst v63  }
0x9c: {  	s24 =	simm.s32 $0xE000;
	v3 =	vadd.s32 v1, v3  }
0x9d: {  	[tilespmem:s24], [sflag:$0x4] =	stream.indirect_vreg.gather [hbm4b:s8+s0], $0x80, v4, vm0, $0xb8;
	[tilespmem:$0x19000] =	vst v63  }
0x9e: {  	s30 =	simm.s32 $0xE800  }
0x9f: {  	[tilespmem:s30], [sflag:$0x4] =	stream.indirect_vreg.gather [hbm4b:s9+s0], $0x80, v4, vm0, $0xb8;
	[tilespmem:$0x19000] =	vst v63  }
0xa0: {  	s5 =	simm.s32 $0xF000  }
0xa1: {  	[tilespmem:s5], [sflag:$0x4] =	stream.indirect_vreg.gather [hbm4b:s2+s0], $0x80, v3, vm0, $0xb8;
	[tilespmem:$0x19000] =	vst v63  }
0xa2: {  	s10 =	simm.s32 $0xF800  }
0xa3: {  	[tilespmem:s10], [sflag:$0x4] =	stream.indirect_vreg.gather [hbm4b:s7+s0], $0x80, v3, vm0, $0xb8;
	[tilespmem:$0x19000] =	vst v63  }
0xa4: {  	s14 =	simm.s32 $0x10000;
	s23 =	simm.s32 $0x0  }
0xa5: {  	[tilespmem:s14], [sflag:$0x4] =	stream.indirect_vreg.gather [hbm4b:s8+s0], $0x80, v3, vm0, $0xb8;
	[tilespmem:$0x19000] =	vst v63  }
0xa6: {  	s18 =	simm.s32 $0x10800;
	s4 =	sand.u32 $0x2000, s23  }
0xa7: {  	[tilespmem:s18], [sflag:$0x4] =	stream.indirect_vreg.gather [hbm4b:s9+s0], $0x80, v3, vm0, $0xb8;
	[tilespmem:$0x19000] =	vst v63  }
0xa8: {  	s24 =	simm.s32 $0x0;
	s10 =	sand.u32 $0x1C00, s0;
	_ =	swait.ge [sflag:s1], $0x4000  }
0xa9: {  	s30 =	sand.u32 $0x380, s24;
	s4 =	sor.u32 s10, s4;
	[sflag:s1] =	ssyncset.done $0x0  }
0xaa: {  	s10 =	sor.u32 s30, s4;
	[sflag:s1] =	ssyncadd.s32 $0xFFFFC000  }
0xab: {  	v3 =	vld [tilespmem:s10+$0x11070]  }
0xac: {  	v8 =	vld [tilespmem:s10+$0x11000]  }
0xad: {  	v9 =	vld [tilespmem:s10+$0x11010]  }
0xae: {  	v7 =	vld [tilespmem:s10+$0x11020]  }
0xaf: {  	v6 =	vld [tilespmem:s10+$0x11030]  }
0xb0: {  	v5 =	vld [tilespmem:s10+$0x11040]  }
0xb1: {  	v4 =	vld [tilespmem:s10+$0x11050]  }
0xb2: {  	[tilespmem:s10+$0x5070] =	vst.add.f32.msk $0xffff, v3  }
0xb3: {  	v3 =	vld [tilespmem:s10+$0x11060]  }
0xb4: {  	[tilespmem:s10+$0x5000] =	vst.add.f32.msk $0xffff, v8  }
0xb5: {  	s23 =	simm.s32 $0x0;
	[tilespmem:s10+$0x5010] =	vst.add.f32.msk $0xffff, v9  }
.LBB2_5:
0xb6: {  	s23 =	sadd.s32 $0x8, s23;
	[tilespmem:s10+$0x5020] =	vst.add.f32.msk $0xffff, v7  }
0xb7: {  	s0 =	sadd.s32 $0x400, s0;
	s4 =	sshll.u32 s23, $0x4;
	p0 =	slt.u32 s23, $0x3F8;
	[tilespmem:s10+$0x5030] =	vst.add.f32.msk $0xffff, v6  }
0xb8: {  	s24 =	sand.u32 $0x1C00, s0;
	s30 =	sshll.u32 s23, $0x1;
	s4 =	sand.u32 $0x2000, s4;
	[tilespmem:s10+$0x5040] =	vst.add.f32.msk $0xffff, v5  }
0xb9: {  	s4 =	sor.u32 s24, s4;
	s24 =	sand.u32 $0x380, s30;
	[tilespmem:s10+$0x5050] =	vst.add.f32.msk $0xffff, v4  }
0xba: {  	[tilespmem:s10+$0x5060] =	vst.add.f32.msk $0xffff, v3;
	s10 =	sor.u32 s24, s4  }
0xbb: {  	v3 =	vld [tilespmem:s10+$0x11070]  }
0xbc: {  	v8 =	vld [tilespmem:s10+$0x11000]  }
0xbd: {  	v9 =	vld [tilespmem:s10+$0x11010]  }
0xbe: {  	v7 =	vld [tilespmem:s10+$0x11020]  }
0xbf: {  	v6 =	vld [tilespmem:s10+$0x11030]  }
0xc0: {  	[tilespmem:s10+$0x5070] =	vst.add.f32.msk $0xffff, v3  }
.Ltmp1:
0xc1: {  	v5 =	vld [tilespmem:s10+$0x11040];
	(pc) =	sbr.rel @p0 .LBB2_5-.Ltmp1, $4  }
0xc2: {  	v4 =	vld [tilespmem:s10+$0x11050]  }
0xc3: {  	v3 =	vld [tilespmem:s10+$0x11060]  }
0xc4: {  	[tilespmem:s10+$0x5000] =	vst.add.f32.msk $0xffff, v8  }
0xc5: {  	[tilespmem:s10+$0x5010] =	vst.add.f32.msk $0xffff, v9  }
0xc6: {  	[tilespmem:s10+$0x5020] =	vst.add.f32.msk $0xffff, v7  }
0xc7: {  	[tilespmem:s10+$0x5030] =	vst.add.f32.msk $0xffff, v6  }
0xc8: {  	[tilespmem:s10+$0x5040] =	vst.add.f32.msk $0xffff, v5  }
0xc9: {  	s0 =	rddreg [dreg:$0xa]  }
0xca: {  	s0 =	sadd.s32 s0, s31  }
0xcb: {  	[tilespmem:s10+$0x5050] =	vst.add.f32.msk $0xffff, v4;
	s0 =	sshll.u32 s0, $0x7  }
0xcc: {  	[tilespmem:s10+$0x5060] =	vst.add.f32.msk $0xffff, v3;
	s4 =	sadd.s32 s3, s0;
	s0 =	simm.s32 $0x0  }
0xcd: {  	[hbm4b:s4+s0] =	stream.linear.scatter [tilespmem:s29], [sflag:$0x6], $0x4000, $0x38;
	[tilespmem:$0x19000] =	vst v63  }
0xce: {  	s24 =	sshllo.u32 s22, $0x1;
	_ =	swait.ge [sflag:s25], $0x4000  }
0xcf: {  	s10 =	sshll.u32 s24, $0x9;
	[sflag:s25] =	ssyncset.done $0x0  }
0xd0: {  	s23 =	sand.u32 $0x3FFFFE00, s10;
	[sflag:s25] =	ssyncadd.s32 $0xFFFFC000  }
0xd1: {  	v3 =	vld [tilespmem:s23+$0x0];
	_ =	sdelay $0x4  }
0xd2: {  	v4 =	vshll.u32 v3, $0x3  }
0xd3: {  	v3 =	vand.u32 $0x7, v3;
	v4 =	vand.u32 $0xFFFFFFC0, v4  }
0xd4: {  	v3 =	vor.u32 v3, v4  }
0xd5: {  	v4 =	vperm.xlane v3, v0;
	_ =	sdelay $0x1  }
0xd6: {  	v4 =	vadd.s32 v1, v4;
	_ =	sdelay $0x4  }
0xd7: {  	[tilespmem:s20], [sflag:$0x1] =	stream.indirect_vreg.gather [hbm4b:s2+s0], $0x80, v4, vm0, $0xb8;
	[tilespmem:$0x19000] =	vst v63  }
0xd8: {  	s14 =	simm.s32 $0x1800;
	v3 =	vperm.xlane v3, v2  }
0xd9: {  	[tilespmem:s14], [sflag:$0x1] =	stream.indirect_vreg.gather [hbm4b:s7+s0], $0x80, v4, vm0, $0xb8;
	[tilespmem:$0x19000] =	vst v63  }
0xda: {  	s18 =	simm.s32 $0x2000;
	v3 =	vadd.s32 v1, v3  }
0xdb: {  	[tilespmem:s18], [sflag:$0x1] =	stream.indirect_vreg.gather [hbm4b:s8+s0], $0x80, v4, vm0, $0xb8;
	[tilespmem:$0x19000] =	vst v63  }
0xdc: {  	s5 =	simm.s32 $0x2800  }
0xdd: {  	[tilespmem:s5], [sflag:$0x1] =	stream.indirect_vreg.gather [hbm4b:s9+s0], $0x80, v4, vm0, $0xb8;
	[tilespmem:$0x19000] =	vst v63  }
0xde: {  	s10 =	simm.s32 $0x3000  }
0xdf: {  	[tilespmem:s10], [sflag:$0x1] =	stream.indirect_vreg.gather [hbm4b:s2+s0], $0x80, v3, vm0, $0xb8;
	[tilespmem:$0x19000] =	vst v63  }
0xe0: {  	s14 =	simm.s32 $0x3800  }
0xe1: {  	[tilespmem:s14], [sflag:$0x1] =	stream.indirect_vreg.gather [hbm4b:s7+s0], $0x80, v3, vm0, $0xb8;
	[tilespmem:$0x19000] =	vst v63  }
0xe2: {  	s18 =	simm.s32 $0x4000  }
0xe3: {  	[tilespmem:s18], [sflag:$0x1] =	stream.indirect_vreg.gather [hbm4b:s8+s0], $0x80, v3, vm0, $0xb8;
	[tilespmem:$0x19000] =	vst v63  }
0xe4: {  	s30 =	simm.s32 $0x0;
	s5 =	simm.s32 $0x4800;
	s10 =	simm.s32 $0x0  }
0xe5: {  	[tilespmem:s5], [sflag:$0x1] =	stream.indirect_vreg.gather [hbm4b:s9+s0], $0x80, v3, vm0, $0xb8;
	[tilespmem:$0x19000] =	vst v63  }
0xe6: {  	s4 =	sand.u32 $0x2000, s10;
	s14 =	sand.u32 $0x1C00, s0;
	_ =	swait.ge [sflag:s6], $0x4000  }
0xe7: {  	s4 =	sor.u32 s14, s4;
	s18 =	sand.u32 $0x380, s30;
	[sflag:s6] =	ssyncset.done $0x0  }
0xe8: {  	s10 =	sor.u32 s18, s4;
	[sflag:s6] =	ssyncadd.s32 $0xFFFFC000  }
0xe9: {  	v3 =	vld [tilespmem:s10+$0x11070]  }
0xea: {  	v8 =	vld [tilespmem:s10+$0x11000]  }
0xeb: {  	v9 =	vld [tilespmem:s10+$0x11010]  }
0xec: {  	v7 =	vld [tilespmem:s10+$0x11020]  }
0xed: {  	v6 =	vld [tilespmem:s10+$0x11030]  }
0xee: {  	v5 =	vld [tilespmem:s10+$0x11040]  }
0xef: {  	v4 =	vld [tilespmem:s10+$0x11050]  }
0xf0: {  	[tilespmem:s10+$0x9070] =	vst.add.f32.msk $0xffff, v3  }
0xf1: {  	v3 =	vld [tilespmem:s10+$0x11060]  }
0xf2: {  	[tilespmem:s10+$0x9000] =	vst.add.f32.msk $0xffff, v8  }
0xf3: {  	s30 =	sshll.u32 s22, $0x1;
	s4 =	simm.s32 $0x0;
	[tilespmem:s10+$0x9010] =	vst.add.f32.msk $0xffff, v9  }
.LBB2_7:
0xf4: {  	s4 =	sadd.s32 $0x8, s4;
	[tilespmem:s10+$0x9020] =	vst.add.f32.msk $0xffff, v7  }
0xf5: {  	s0 =	sadd.s32 $0x400, s0;
	s18 =	sshll.u32 s4, $0x4;
	p0 =	slt.u32 s4, $0x3F8;
	[tilespmem:s10+$0x9030] =	vst.add.f32.msk $0xffff, v6  }
0xf6: {  	s14 =	sand.u32 $0x1C00, s0;
	s5 =	sshll.u32 s4, $0x1;
	s18 =	sand.u32 $0x2000, s18;
	[tilespmem:s10+$0x9040] =	vst.add.f32.msk $0xffff, v5  }
0xf7: {  	s5 =	sand.u32 $0x380, s5;
	s14 =	sor.u32 s14, s18;
	[tilespmem:s10+$0x9050] =	vst.add.f32.msk $0xffff, v4  }
0xf8: {  	[tilespmem:s10+$0x9060] =	vst.add.f32.msk $0xffff, v3;
	s10 =	sor.u32 s5, s14  }
0xf9: {  	v3 =	vld [tilespmem:s10+$0x11070]  }
0xfa: {  	v8 =	vld [tilespmem:s10+$0x11000]  }
0xfb: {  	v9 =	vld [tilespmem:s10+$0x11010]  }
0xfc: {  	v7 =	vld [tilespmem:s10+$0x11020]  }
0xfd: {  	v6 =	vld [tilespmem:s10+$0x11030]  }
0xfe: {  	[tilespmem:s10+$0x9070] =	vst.add.f32.msk $0xffff, v3  }
.Ltmp2:
0xff: {  	v5 =	vld [tilespmem:s10+$0x11040];
	(pc) =	sbr.rel @p0 .LBB2_7-.Ltmp2, $4  }
0x100: {  	v4 =	vld [tilespmem:s10+$0x11050]  }
0x101: {  	v3 =	vld [tilespmem:s10+$0x11060]  }
0x102: {  	[tilespmem:s10+$0x9000] =	vst.add.f32.msk $0xffff, v8  }
0x103: {  	[tilespmem:s10+$0x9010] =	vst.add.f32.msk $0xffff, v9  }
0x104: {  	[tilespmem:s10+$0x9020] =	vst.add.f32.msk $0xffff, v7  }
0x105: {  	[tilespmem:s10+$0x9030] =	vst.add.f32.msk $0xffff, v6  }
0x106: {  	[tilespmem:s10+$0x9040] =	vst.add.f32.msk $0xffff, v5;
	s0 =	sadd.s32 s12, s31  }
0x107: {  	[tilespmem:s10+$0x9050] =	vst.add.f32.msk $0xffff, v4;
	s0 =	sshll.u32 s0, $0x7  }
0x108: {  	[tilespmem:s10+$0x9060] =	vst.add.f32.msk $0xffff, v3;
	s4 =	sadd.s32 s3, s0;
	s0 =	simm.s32 $0x0  }
0x109: {  	[hbm4b:s4+s0] =	stream.linear.scatter [tilespmem:s19], [sflag:$0x7], $0x4000, $0x38;
	[tilespmem:$0x19000] =	vst v63  }
0x10a: {  	_ =	swait.ge [sflag:s26], $0x4000  }
0x10b: {  	[sflag:s26] =	ssyncset.done $0x0  }
0x10c: {  	[sflag:s26] =	ssyncadd.s32 $0xFFFFC000  }
0x10d: {  	v3 =	vld [tilespmem:s23+$0x80];
	_ =	sdelay $0x4  }
0x10e: {  	v4 =	vshll.u32 v3, $0x3  }
0x10f: {  	v3 =	vand.u32 $0x7, v3;
	v4 =	vand.u32 $0xFFFFFFC0, v4  }
0x110: {  	v3 =	vor.u32 v3, v4  }
0x111: {  	v4 =	vperm.xlane v3, v0;
	_ =	sdelay $0x1  }
0x112: {  	v4 =	vadd.s32 v1, v4;
	_ =	sdelay $0x4  }
0x113: {  	[tilespmem:s29], [sflag:$0x2] =	stream.indirect_vreg.gather [hbm4b:s2+s0], $0x80, v4, vm0, $0xb8;
	[tilespmem:$0x19000] =	vst v63  }
0x114: {  	s14 =	simm.s32 $0x5800;
	v3 =	vperm.xlane v3, v2  }
0x115: {  	[tilespmem:s14], [sflag:$0x2] =	stream.indirect_vreg.gather [hbm4b:s7+s0], $0x80, v4, vm0, $0xb8;
	[tilespmem:$0x19000] =	vst v63  }
0x116: {  	s18 =	simm.s32 $0x6000;
	v3 =	vadd.s32 v1, v3  }
0x117: {  	[tilespmem:s18], [sflag:$0x2] =	stream.indirect_vreg.gather [hbm4b:s8+s0], $0x80, v4, vm0, $0xb8;
	[tilespmem:$0x19000] =	vst v63  }
0x118: {  	s5 =	simm.s32 $0x6800  }
0x119: {  	[tilespmem:s5], [sflag:$0x2] =	stream.indirect_vreg.gather [hbm4b:s9+s0], $0x80, v4, vm0, $0xb8;
	[tilespmem:$0x19000] =	vst v63  }
0x11a: {  	s10 =	simm.s32 $0x7000  }
0x11b: {  	[tilespmem:s10], [sflag:$0x2] =	stream.indirect_vreg.gather [hbm4b:s2+s0], $0x80, v3, vm0, $0xb8;
	[tilespmem:$0x19000] =	vst v63  }
0x11c: {  	s14 =	simm.s32 $0x7800  }
0x11d: {  	[tilespmem:s14], [sflag:$0x2] =	stream.indirect_vreg.gather [hbm4b:s7+s0], $0x80, v3, vm0, $0xb8;
	[tilespmem:$0x19000] =	vst v63  }
0x11e: {  	s18 =	simm.s32 $0x8000;
	s10 =	simm.s32 $0x0  }
0x11f: {  	[tilespmem:s18], [sflag:$0x2] =	stream.indirect_vreg.gather [hbm4b:s8+s0], $0x80, v3, vm0, $0xb8;
	[tilespmem:$0x19000] =	vst v63  }
0x120: {  	s5 =	simm.s32 $0x8800;
	s4 =	sand.u32 $0x2000, s10  }
0x121: {  	[tilespmem:s5], [sflag:$0x2] =	stream.indirect_vreg.gather [hbm4b:s9+s0], $0x80, v3, vm0, $0xb8;
	[tilespmem:$0x19000] =	vst v63  }
0x122: {  	s14 =	simm.s32 $0x0;
	s5 =	sand.u32 $0x1C00, s0;
	_ =	swait.ge [sflag:s13], $0x4000  }
0x123: {  	s18 =	sand.u32 $0x380, s14;
	s4 =	sor.u32 s5, s4;
	[sflag:s13] =	ssyncset.done $0x0  }
0x124: {  	s10 =	sor.u32 s18, s4;
	[sflag:s13] =	ssyncadd.s32 $0xFFFFC000  }
0x125: {  	v3 =	vld [tilespmem:s10+$0x11070]  }
0x126: {  	v8 =	vld [tilespmem:s10+$0x11000]  }
0x127: {  	v9 =	vld [tilespmem:s10+$0x11010]  }
0x128: {  	v7 =	vld [tilespmem:s10+$0x11020]  }
0x129: {  	v6 =	vld [tilespmem:s10+$0x11030]  }
0x12a: {  	v5 =	vld [tilespmem:s10+$0x11040]  }
0x12b: {  	v4 =	vld [tilespmem:s10+$0x11050]  }
0x12c: {  	[tilespmem:s10+$0xD070] =	vst.add.f32.msk $0xffff, v3  }
0x12d: {  	v3 =	vld [tilespmem:s10+$0x11060]  }
0x12e: {  	[tilespmem:s10+$0xD000] =	vst.add.f32.msk $0xffff, v8  }
0x12f: {  	s4 =	simm.s32 $0x0;
	[tilespmem:s10+$0xD010] =	vst.add.f32.msk $0xffff, v9  }
.LBB2_9:
0x130: {  	s4 =	sadd.s32 $0x8, s4;
	[tilespmem:s10+$0xD020] =	vst.add.f32.msk $0xffff, v7  }
0x131: {  	s0 =	sadd.s32 $0x400, s0;
	s5 =	sshll.u32 s4, $0x4;
	p0 =	slt.u32 s4, $0x3F8;
	[tilespmem:s10+$0xD030] =	vst.add.f32.msk $0xffff, v6  }
0x132: {  	s14 =	sand.u32 $0x1C00, s0;
	s18 =	sshll.u32 s4, $0x1;
	s5 =	sand.u32 $0x2000, s5;
	[tilespmem:s10+$0xD040] =	vst.add.f32.msk $0xffff, v5  }
0x133: {  	s5 =	sor.u32 s14, s5;
	s14 =	sand.u32 $0x380, s18;
	[tilespmem:s10+$0xD050] =	vst.add.f32.msk $0xffff, v4  }
0x134: {  	[tilespmem:s10+$0xD060] =	vst.add.f32.msk $0xffff, v3;
	s10 =	sor.u32 s14, s5  }
0x135: {  	v3 =	vld [tilespmem:s10+$0x11070]  }
0x136: {  	v8 =	vld [tilespmem:s10+$0x11000]  }
0x137: {  	v9 =	vld [tilespmem:s10+$0x11010]  }
0x138: {  	v7 =	vld [tilespmem:s10+$0x11020]  }
0x139: {  	v6 =	vld [tilespmem:s10+$0x11030]  }
0x13a: {  	[tilespmem:s10+$0xD070] =	vst.add.f32.msk $0xffff, v3  }
.Ltmp3:
0x13b: {  	v5 =	vld [tilespmem:s10+$0x11040];
	(pc) =	sbr.rel @p0 .LBB2_9-.Ltmp3, $4  }
0x13c: {  	v4 =	vld [tilespmem:s10+$0x11050]  }
0x13d: {  	v3 =	vld [tilespmem:s10+$0x11060]  }
0x13e: {  	[tilespmem:s10+$0xD000] =	vst.add.f32.msk $0xffff, v8  }
0x13f: {  	[tilespmem:s10+$0xD010] =	vst.add.f32.msk $0xffff, v9  }
0x140: {  	[tilespmem:s10+$0xD020] =	vst.add.f32.msk $0xffff, v7  }
0x141: {  	[tilespmem:s10+$0xD030] =	vst.add.f32.msk $0xffff, v6  }
0x142: {  	[tilespmem:s10+$0xD040] =	vst.add.f32.msk $0xffff, v5;
	s0 =	sadd.s32 s16, s31  }
0x143: {  	s5 =	simm.s32 $0xA;
	[tilespmem:s10+$0xD050] =	vst.add.f32.msk $0xffff, v4;
	s0 =	sshll.u32 s0, $0x7  }
0x144: {  	[tilespmem:s10+$0xD060] =	vst.add.f32.msk $0xffff, v3;
	s4 =	sadd.s32 s3, s0;
	s0 =	simm.s32 $0x0;
	s10 =	smin.u32 s30, $0x5  }
0x145: {  	[hbm4b:s4+s0] =	stream.linear.scatter [tilespmem:s15], [sflag:$0x8], $0x4000, $0x38;
	[tilespmem:$0x19000] =	vst v63  }
0x146: {  	s4 =	sshll.u32 s10, $0xB;
	_ =	swait.ge [sflag:s5], $0x4000  }
0x147: {  	s31 =	sadd.s32 $0x1000, s4;
	[sflag:s5] =	ssyncset.done $0x0;
	s14 =	rddreg [dreg:$0x6]  }
0x148: {  	s18 =	simm.s32 $0x11000;
	[sflag:s5] =	ssyncadd.s32 $0xFFFFC000;
	s4 =	sadd.s32 s31, s14  }
0x149: {  	[tilespmem:s18], [sflag:$0x9] =	stream.linear.gather [hbm4b:s4+s0], $0x4000, $0x38;
	[tilespmem:$0x19000] =	vst v63  }
0x14a: {  	_ =	swait.ge [sflag:s17], $0x4000  }
0x14b: {  	[sflag:s17] =	ssyncset.done $0x0  }
0x14c: {  	[sflag:s17] =	ssyncadd.s32 $0xFFFFC000  }
0x14d: {  	v3 =	vld [tilespmem:s23+$0x100];
	_ =	sdelay $0x4  }
0x14e: {  	v4 =	vshll.u32 v3, $0x3  }
0x14f: {  	v3 =	vand.u32 $0x7, v3;
	v4 =	vand.u32 $0xFFFFFFC0, v4  }
0x150: {  	v3 =	vor.u32 v3, v4  }
0x151: {  	v4 =	vperm.xlane v3, v0;
	_ =	sdelay $0x1  }
0x152: {  	v4 =	vadd.s32 v1, v4;
	_ =	sdelay $0x4  }
0x153: {  	[tilespmem:s19], [sflag:$0x3] =	stream.indirect_vreg.gather [hbm4b:s2+s0], $0x80, v4, vm0, $0xb8;
	[tilespmem:$0x19000] =	vst v63  }
0x154: {  	s10 =	simm.s32 $0x9800;
	v3 =	vperm.xlane v3, v2  }
0x155: {  	[tilespmem:s10], [sflag:$0x3] =	stream.indirect_vreg.gather [hbm4b:s7+s0], $0x80, v4, vm0, $0xb8;
	[tilespmem:$0x19000] =	vst v63  }
0x156: {  	s14 =	simm.s32 $0xA000;
	v3 =	vadd.s32 v1, v3  }
0x157: {  	[tilespmem:s14], [sflag:$0x3] =	stream.indirect_vreg.gather [hbm4b:s8+s0], $0x80, v4, vm0, $0xb8;
	[tilespmem:$0x19000] =	vst v63  }
0x158: {  	s18 =	simm.s32 $0xA800  }
0x159: {  	[tilespmem:s18], [sflag:$0x3] =	stream.indirect_vreg.gather [hbm4b:s9+s0], $0x80, v4, vm0, $0xb8;
	[tilespmem:$0x19000] =	vst v63  }
0x15a: {  	s5 =	simm.s32 $0xB000  }
0x15b: {  	[tilespmem:s5], [sflag:$0x3] =	stream.indirect_vreg.gather [hbm4b:s2+s0], $0x80, v3, vm0, $0xb8;
	[tilespmem:$0x19000] =	vst v63  }
0x15c: {  	s10 =	simm.s32 $0xB800  }
0x15d: {  	[tilespmem:s10], [sflag:$0x3] =	stream.indirect_vreg.gather [hbm4b:s7+s0], $0x80, v3, vm0, $0xb8;
	[tilespmem:$0x19000] =	vst v63  }
0x15e: {  	s14 =	simm.s32 $0xC000;
	s5 =	simm.s32 $0x0  }
0x15f: {  	[tilespmem:s14], [sflag:$0x3] =	stream.indirect_vreg.gather [hbm4b:s8+s0], $0x80, v3, vm0, $0xb8;
	[tilespmem:$0x19000] =	vst v63  }
0x160: {  	s18 =	simm.s32 $0xC800;
	s4 =	sand.u32 $0x2000, s5  }
0x161: {  	[tilespmem:s18], [sflag:$0x3] =	stream.indirect_vreg.gather [hbm4b:s9+s0], $0x80, v3, vm0, $0xb8;
	[tilespmem:$0x19000] =	vst v63  }
0x162: {  	s10 =	sand.u32 $0x1C00, s0;
	s14 =	simm.s32 $0x0;
	_ =	swait.ge [sflag:s28], $0x4000  }
0x163: {  	s4 =	sor.u32 s10, s4;
	s18 =	sand.u32 $0x380, s14;
	[sflag:s28] =	ssyncset.done $0x0  }
0x164: {  	s10 =	sor.u32 s18, s4;
	[sflag:s28] =	ssyncadd.s32 $0xFFFFC000  }
0x165: {  	v3 =	vld [tilespmem:s10+$0x15070]  }
0x166: {  	v8 =	vld [tilespmem:s10+$0x15000]  }
0x167: {  	v9 =	vld [tilespmem:s10+$0x15010]  }
0x168: {  	v7 =	vld [tilespmem:s10+$0x15020]  }
0x169: {  	v6 =	vld [tilespmem:s10+$0x15030]  }
0x16a: {  	v5 =	vld [tilespmem:s10+$0x15040]  }
0x16b: {  	v4 =	vld [tilespmem:s10+$0x15050]  }
0x16c: {  	[tilespmem:s10+$0x1070] =	vst.add.f32.msk $0xffff, v3  }
0x16d: {  	v3 =	vld [tilespmem:s10+$0x15060]  }
0x16e: {  	[tilespmem:s10+$0x1000] =	vst.add.f32.msk $0xffff, v8  }
0x16f: {  	s4 =	simm.s32 $0x0;
	[tilespmem:s10+$0x1010] =	vst.add.f32.msk $0xffff, v9  }
.LBB2_11:
0x170: {  	s4 =	sadd.s32 $0x8, s4;
	[tilespmem:s10+$0x1020] =	vst.add.f32.msk $0xffff, v7  }
0x171: {  	s0 =	sadd.s32 $0x400, s0;
	s5 =	sshll.u32 s4, $0x4;
	p0 =	slt.u32 s4, $0x3F8;
	[tilespmem:s10+$0x1030] =	vst.add.f32.msk $0xffff, v6  }
0x172: {  	s14 =	sand.u32 $0x1C00, s0;
	s18 =	sshll.u32 s4, $0x1;
	s5 =	sand.u32 $0x2000, s5;
	[tilespmem:s10+$0x1040] =	vst.add.f32.msk $0xffff, v5  }
0x173: {  	s5 =	sor.u32 s14, s5;
	s14 =	sand.u32 $0x380, s18;
	[tilespmem:s10+$0x1050] =	vst.add.f32.msk $0xffff, v4  }
0x174: {  	[tilespmem:s10+$0x1060] =	vst.add.f32.msk $0xffff, v3;
	s10 =	sor.u32 s14, s5  }
0x175: {  	v3 =	vld [tilespmem:s10+$0x15070]  }
0x176: {  	v8 =	vld [tilespmem:s10+$0x15000]  }
0x177: {  	v9 =	vld [tilespmem:s10+$0x15010]  }
0x178: {  	v7 =	vld [tilespmem:s10+$0x15020]  }
0x179: {  	v6 =	vld [tilespmem:s10+$0x15030]  }
0x17a: {  	[tilespmem:s10+$0x1070] =	vst.add.f32.msk $0xffff, v3  }
.Ltmp4:
0x17b: {  	v5 =	vld [tilespmem:s10+$0x15040];
	(pc) =	sbr.rel @p0 .LBB2_11-.Ltmp4, $4  }
0x17c: {  	v4 =	vld [tilespmem:s10+$0x15050]  }
0x17d: {  	v3 =	vld [tilespmem:s10+$0x15060]  }
0x17e: {  	[tilespmem:s10+$0x1000] =	vst.add.f32.msk $0xffff, v8  }
0x17f: {  	[tilespmem:s10+$0x1010] =	vst.add.f32.msk $0xffff, v9  }
0x180: {  	[tilespmem:s10+$0x1020] =	vst.add.f32.msk $0xffff, v7  }
0x181: {  	[tilespmem:s10+$0x1030] =	vst.add.f32.msk $0xffff, v6;
	s24 =	sshll.u32 s24, $0x4  }
0x182: {  	[tilespmem:s10+$0x1040] =	vst.add.f32.msk $0xffff, v5;
	s0 =	sadd.s32 s11, s24  }
0x183: {  	[tilespmem:s10+$0x1050] =	vst.add.f32.msk $0xffff, v4;
	s0 =	sshll.u32 s0, $0x7  }
0x184: {  	[tilespmem:s10+$0x1060] =	vst.add.f32.msk $0xffff, v3;
	s4 =	sadd.s32 s3, s0;
	s0 =	simm.s32 $0x0  }
0x185: {  	[hbm4b:s4+s0] =	stream.linear.scatter [tilespmem:s20], [sflag:$0x5], $0x4000, $0x38;
	[tilespmem:$0x19000] =	vst v63  }
0x186: {  	_ =	swait.ge [sflag:s21], $0x4000  }
0x187: {  	[sflag:s21] =	ssyncset.done $0x0  }
0x188: {  	[sflag:s21] =	ssyncadd.s32 $0xFFFFC000  }
0x189: {  	v3 =	vld [tilespmem:s23+$0x180];
	_ =	sdelay $0x4  }
0x18a: {  	v4 =	vshll.u32 v3, $0x3  }
0x18b: {  	v3 =	vand.u32 $0x7, v3;
	v4 =	vand.u32 $0xFFFFFFC0, v4  }
0x18c: {  	v3 =	vor.u32 v3, v4  }
0x18d: {  	v4 =	vperm.xlane v3, v0;
	_ =	sdelay $0x1  }
0x18e: {  	v4 =	vadd.s32 v1, v4;
	_ =	sdelay $0x4  }
0x18f: {  	[tilespmem:s15], [sflag:$0x4] =	stream.indirect_vreg.gather [hbm4b:s2+s0], $0x80, v4, vm0, $0xb8;
	[tilespmem:$0x19000] =	vst v63  }
0x190: {  	s5 =	simm.s32 $0xD800;
	v3 =	vperm.xlane v3, v2  }
0x191: {  	[tilespmem:s5], [sflag:$0x4] =	stream.indirect_vreg.gather [hbm4b:s7+s0], $0x80, v4, vm0, $0xb8;
	[tilespmem:$0x19000] =	vst v63  }
0x192: {  	s10 =	simm.s32 $0xE000;
	v3 =	vadd.s32 v1, v3  }
0x193: {  	[tilespmem:s10], [sflag:$0x4] =	stream.indirect_vreg.gather [hbm4b:s8+s0], $0x80, v4, vm0, $0xb8;
	[tilespmem:$0x19000] =	vst v63  }
0x194: {  	s14 =	simm.s32 $0xE800  }
0x195: {  	[tilespmem:s14], [sflag:$0x4] =	stream.indirect_vreg.gather [hbm4b:s9+s0], $0x80, v4, vm0, $0xb8;
	[tilespmem:$0x19000] =	vst v63  }
0x196: {  	s18 =	simm.s32 $0xF000  }
0x197: {  	[tilespmem:s18], [sflag:$0x4] =	stream.indirect_vreg.gather [hbm4b:s2+s0], $0x80, v3, vm0, $0xb8;
	[tilespmem:$0x19000] =	vst v63  }
0x198: {  	s23 =	simm.s32 $0xF800  }
0x199: {  	[tilespmem:s23], [sflag:$0x4] =	stream.indirect_vreg.gather [hbm4b:s7+s0], $0x80, v3, vm0, $0xb8;
	[tilespmem:$0x19000] =	vst v63  }
0x19a: {  	s5 =	simm.s32 $0x10000;
	s14 =	simm.s32 $0x0  }
0x19b: {  	[tilespmem:s5], [sflag:$0x4] =	stream.indirect_vreg.gather [hbm4b:s8+s0], $0x80, v3, vm0, $0xb8;
	[tilespmem:$0x19000] =	vst v63  }
0x19c: {  	s10 =	simm.s32 $0x10800;
	s4 =	sand.u32 $0x2000, s14  }
0x19d: {  	[tilespmem:s10], [sflag:$0x4] =	stream.indirect_vreg.gather [hbm4b:s9+s0], $0x80, v3, vm0, $0xb8;
	[tilespmem:$0x19000] =	vst v63  }
0x19e: {  	s18 =	simm.s32 $0x0;
	s5 =	sand.u32 $0x1C00, s0;
	_ =	swait.ge [sflag:s1], $0x4000  }
0x19f: {  	s23 =	sand.u32 $0x380, s18;
	s4 =	sor.u32 s5, s4;
	[sflag:s1] =	ssyncset.done $0x0  }
0x1a0: {  	s10 =	sor.u32 s23, s4;
	[sflag:s1] =	ssyncadd.s32 $0xFFFFC000  }
0x1a1: {  	v3 =	vld [tilespmem:s10+$0x15070]  }
0x1a2: {  	v8 =	vld [tilespmem:s10+$0x15000]  }
0x1a3: {  	v9 =	vld [tilespmem:s10+$0x15010]  }
0x1a4: {  	v7 =	vld [tilespmem:s10+$0x15020]  }
0x1a5: {  	v6 =	vld [tilespmem:s10+$0x15030]  }
0x1a6: {  	v5 =	vld [tilespmem:s10+$0x15040]  }
0x1a7: {  	v4 =	vld [tilespmem:s10+$0x15050]  }
0x1a8: {  	[tilespmem:s10+$0x5070] =	vst.add.f32.msk $0xffff, v3  }
0x1a9: {  	v3 =	vld [tilespmem:s10+$0x15060]  }
0x1aa: {  	[tilespmem:s10+$0x5000] =	vst.add.f32.msk $0xffff, v8  }
0x1ab: {  	s4 =	simm.s32 $0x0;
	[tilespmem:s10+$0x5010] =	vst.add.f32.msk $0xffff, v9  }
.LBB2_13:
0x1ac: {  	s4 =	sadd.s32 $0x8, s4;
	[tilespmem:s10+$0x5020] =	vst.add.f32.msk $0xffff, v7  }
0x1ad: {  	s0 =	sadd.s32 $0x400, s0;
	s5 =	sshll.u32 s4, $0x4;
	p0 =	slt.u32 s4, $0x3F8;
	[tilespmem:s10+$0x5030] =	vst.add.f32.msk $0xffff, v6  }
0x1ae: {  	s14 =	sand.u32 $0x1C00, s0;
	s18 =	sshll.u32 s4, $0x1;
	s5 =	sand.u32 $0x2000, s5;
	[tilespmem:s10+$0x5040] =	vst.add.f32.msk $0xffff, v5  }
0x1af: {  	s5 =	sor.u32 s14, s5;
	s14 =	sand.u32 $0x380, s18;
	[tilespmem:s10+$0x5050] =	vst.add.f32.msk $0xffff, v4  }
0x1b0: {  	[tilespmem:s10+$0x5060] =	vst.add.f32.msk $0xffff, v3;
	s10 =	sor.u32 s14, s5  }
0x1b1: {  	v3 =	vld [tilespmem:s10+$0x15070]  }
0x1b2: {  	v8 =	vld [tilespmem:s10+$0x15000]  }
0x1b3: {  	v9 =	vld [tilespmem:s10+$0x15010]  }
0x1b4: {  	v7 =	vld [tilespmem:s10+$0x15020]  }
0x1b5: {  	v6 =	vld [tilespmem:s10+$0x15030]  }
0x1b6: {  	[tilespmem:s10+$0x5070] =	vst.add.f32.msk $0xffff, v3  }
.Ltmp5:
0x1b7: {  	v5 =	vld [tilespmem:s10+$0x15040];
	(pc) =	sbr.rel @p0 .LBB2_13-.Ltmp5, $4  }
0x1b8: {  	v4 =	vld [tilespmem:s10+$0x15050]  }
0x1b9: {  	v3 =	vld [tilespmem:s10+$0x15060]  }
0x1ba: {  	[tilespmem:s10+$0x5000] =	vst.add.f32.msk $0xffff, v8  }
0x1bb: {  	[tilespmem:s10+$0x5010] =	vst.add.f32.msk $0xffff, v9  }
0x1bc: {  	[tilespmem:s10+$0x5020] =	vst.add.f32.msk $0xffff, v7  }
0x1bd: {  	[tilespmem:s10+$0x5030] =	vst.add.f32.msk $0xffff, v6  }
0x1be: {  	[tilespmem:s10+$0x5040] =	vst.add.f32.msk $0xffff, v5  }
0x1bf: {  	s0 =	rddreg [dreg:$0xa]  }
0x1c0: {  	s0 =	sadd.s32 s0, s24  }
0x1c1: {  	[tilespmem:s10+$0x5050] =	vst.add.f32.msk $0xffff, v4;
	s0 =	sshll.u32 s0, $0x7  }
0x1c2: {  	[tilespmem:s10+$0x5060] =	vst.add.f32.msk $0xffff, v3;
	s4 =	sadd.s32 s3, s0;
	s0 =	simm.s32 $0x0  }
0x1c3: {  	[hbm4b:s4+s0] =	stream.linear.scatter [tilespmem:s29], [sflag:$0x6], $0x4000, $0x38;
	[tilespmem:$0x19000] =	vst v63  }
0x1c4: {  	_ =	swait.ge [sflag:s25], $0x4000  }
0x1c5: {  	[sflag:s25] =	ssyncset.done $0x0  }
0x1c6: {  	s23 =	sshrl.u32 s31, $0x2;
	[sflag:s25] =	ssyncadd.s32 $0xFFFFC000  }
0x1c7: {  	v3 =	vld [tilespmem:s23+$0x0];
	_ =	sdelay $0x4  }
0x1c8: {  	v4 =	vshll.u32 v3, $0x3  }
0x1c9: {  	v3 =	vand.u32 $0x7, v3;
	v4 =	vand.u32 $0xFFFFFFC0, v4  }
0x1ca: {  	v3 =	vor.u32 v3, v4  }
0x1cb: {  	v4 =	vperm.xlane v3, v0;
	_ =	sdelay $0x1  }
0x1cc: {  	v4 =	vadd.s32 v1, v4;
	_ =	sdelay $0x4  }
0x1cd: {  	[tilespmem:s20], [sflag:$0x1] =	stream.indirect_vreg.gather [hbm4b:s2+s0], $0x80, v4, vm0, $0xb8;
	[tilespmem:$0x19000] =	vst v63  }
0x1ce: {  	s5 =	simm.s32 $0x1800;
	v3 =	vperm.xlane v3, v2  }
0x1cf: {  	[tilespmem:s5], [sflag:$0x1] =	stream.indirect_vreg.gather [hbm4b:s7+s0], $0x80, v4, vm0, $0xb8;
	[tilespmem:$0x19000] =	vst v63  }
0x1d0: {  	s10 =	simm.s32 $0x2000;
	v3 =	vadd.s32 v1, v3  }
0x1d1: {  	[tilespmem:s10], [sflag:$0x1] =	stream.indirect_vreg.gather [hbm4b:s8+s0], $0x80, v4, vm0, $0xb8;
	[tilespmem:$0x19000] =	vst v63  }
0x1d2: {  	s14 =	simm.s32 $0x2800  }
0x1d3: {  	[tilespmem:s14], [sflag:$0x1] =	stream.indirect_vreg.gather [hbm4b:s9+s0], $0x80, v4, vm0, $0xb8;
	[tilespmem:$0x19000] =	vst v63  }
0x1d4: {  	s18 =	simm.s32 $0x3000  }
0x1d5: {  	[tilespmem:s18], [sflag:$0x1] =	stream.indirect_vreg.gather [hbm4b:s2+s0], $0x80, v3, vm0, $0xb8;
	[tilespmem:$0x19000] =	vst v63  }
0x1d6: {  	s31 =	simm.s32 $0x3800  }
0x1d7: {  	[tilespmem:s31], [sflag:$0x1] =	stream.indirect_vreg.gather [hbm4b:s7+s0], $0x80, v3, vm0, $0xb8;
	[tilespmem:$0x19000] =	vst v63  }
0x1d8: {  	s5 =	simm.s32 $0x4000;
	s14 =	simm.s32 $0x0  }
0x1d9: {  	[tilespmem:s5], [sflag:$0x1] =	stream.indirect_vreg.gather [hbm4b:s8+s0], $0x80, v3, vm0, $0xb8;
	[tilespmem:$0x19000] =	vst v63  }
0x1da: {  	s10 =	simm.s32 $0x4800;
	s4 =	sand.u32 $0x2000, s14  }
0x1db: {  	[tilespmem:s10], [sflag:$0x1] =	stream.indirect_vreg.gather [hbm4b:s9+s0], $0x80, v3, vm0, $0xb8;
	[tilespmem:$0x19000] =	vst v63  }
0x1dc: {  	s18 =	simm.s32 $0x0;
	s5 =	sand.u32 $0x1C00, s0;
	_ =	swait.ge [sflag:s6], $0x4000  }
0x1dd: {  	s31 =	sand.u32 $0x380, s18;
	s4 =	sor.u32 s5, s4;
	[sflag:s6] =	ssyncset.done $0x0  }
0x1de: {  	s10 =	sor.u32 s31, s4;
	[sflag:s6] =	ssyncadd.s32 $0xFFFFC000  }
0x1df: {  	v3 =	vld [tilespmem:s10+$0x15070]  }
0x1e0: {  	v8 =	vld [tilespmem:s10+$0x15000]  }
0x1e1: {  	v9 =	vld [tilespmem:s10+$0x15010]  }
0x1e2: {  	v7 =	vld [tilespmem:s10+$0x15020]  }
0x1e3: {  	v6 =	vld [tilespmem:s10+$0x15030]  }
0x1e4: {  	v5 =	vld [tilespmem:s10+$0x15040]  }
0x1e5: {  	v4 =	vld [tilespmem:s10+$0x15050]  }
0x1e6: {  	[tilespmem:s10+$0x9070] =	vst.add.f32.msk $0xffff, v3  }
0x1e7: {  	v3 =	vld [tilespmem:s10+$0x15060]  }
0x1e8: {  	[tilespmem:s10+$0x9000] =	vst.add.f32.msk $0xffff, v8  }
0x1e9: {  	s4 =	simm.s32 $0x0;
	[tilespmem:s10+$0x9010] =	vst.add.f32.msk $0xffff, v9  }
.LBB2_15:
0x1ea: {  	s4 =	sadd.s32 $0x8, s4;
	[tilespmem:s10+$0x9020] =	vst.add.f32.msk $0xffff, v7  }
0x1eb: {  	s0 =	sadd.s32 $0x400, s0;
	s5 =	sshll.u32 s4, $0x4;
	p0 =	slt.u32 s4, $0x3F8;
	[tilespmem:s10+$0x9030] =	vst.add.f32.msk $0xffff, v6  }
0x1ec: {  	s14 =	sand.u32 $0x1C00, s0;
	s18 =	sshll.u32 s4, $0x1;
	s5 =	sand.u32 $0x2000, s5;
	[tilespmem:s10+$0x9040] =	vst.add.f32.msk $0xffff, v5  }
0x1ed: {  	s5 =	sor.u32 s14, s5;
	s14 =	sand.u32 $0x380, s18;
	[tilespmem:s10+$0x9050] =	vst.add.f32.msk $0xffff, v4  }
0x1ee: {  	[tilespmem:s10+$0x9060] =	vst.add.f32.msk $0xffff, v3;
	s10 =	sor.u32 s14, s5  }
0x1ef: {  	v3 =	vld [tilespmem:s10+$0x15070]  }
0x1f0: {  	v8 =	vld [tilespmem:s10+$0x15000]  }
0x1f1: {  	v9 =	vld [tilespmem:s10+$0x15010]  }
0x1f2: {  	v7 =	vld [tilespmem:s10+$0x15020]  }
0x1f3: {  	v6 =	vld [tilespmem:s10+$0x15030]  }
0x1f4: {  	[tilespmem:s10+$0x9070] =	vst.add.f32.msk $0xffff, v3  }
.Ltmp6:
0x1f5: {  	v5 =	vld [tilespmem:s10+$0x15040];
	(pc) =	sbr.rel @p0 .LBB2_15-.Ltmp6, $4  }
0x1f6: {  	v4 =	vld [tilespmem:s10+$0x15050]  }
0x1f7: {  	v3 =	vld [tilespmem:s10+$0x15060]  }
0x1f8: {  	[tilespmem:s10+$0x9000] =	vst.add.f32.msk $0xffff, v8  }
0x1f9: {  	[tilespmem:s10+$0x9010] =	vst.add.f32.msk $0xffff, v9  }
0x1fa: {  	[tilespmem:s10+$0x9020] =	vst.add.f32.msk $0xffff, v7  }
0x1fb: {  	[tilespmem:s10+$0x9030] =	vst.add.f32.msk $0xffff, v6  }
0x1fc: {  	[tilespmem:s10+$0x9040] =	vst.add.f32.msk $0xffff, v5;
	s0 =	sadd.s32 s12, s24  }
0x1fd: {  	[tilespmem:s10+$0x9050] =	vst.add.f32.msk $0xffff, v4;
	s0 =	sshll.u32 s0, $0x7  }
0x1fe: {  	[tilespmem:s10+$0x9060] =	vst.add.f32.msk $0xffff, v3;
	s4 =	sadd.s32 s3, s0;
	s0 =	simm.s32 $0x0  }
0x1ff: {  	[hbm4b:s4+s0] =	stream.linear.scatter [tilespmem:s19], [sflag:$0x7], $0x4000, $0x38;
	[tilespmem:$0x19000] =	vst v63  }
0x200: {  	_ =	swait.ge [sflag:s26], $0x4000  }
0x201: {  	[sflag:s26] =	ssyncset.done $0x0  }
0x202: {  	[sflag:s26] =	ssyncadd.s32 $0xFFFFC000  }
0x203: {  	v3 =	vld [tilespmem:s23+$0x80];
	_ =	sdelay $0x4  }
0x204: {  	v4 =	vshll.u32 v3, $0x3  }
0x205: {  	v3 =	vand.u32 $0x7, v3;
	v4 =	vand.u32 $0xFFFFFFC0, v4  }
0x206: {  	v3 =	vor.u32 v3, v4  }
0x207: {  	v4 =	vperm.xlane v3, v0;
	_ =	sdelay $0x1  }
0x208: {  	v4 =	vadd.s32 v1, v4;
	_ =	sdelay $0x4  }
0x209: {  	[tilespmem:s29], [sflag:$0x2] =	stream.indirect_vreg.gather [hbm4b:s2+s0], $0x80, v4, vm0, $0xb8;
	[tilespmem:$0x19000] =	vst v63  }
0x20a: {  	s14 =	simm.s32 $0x5800;
	v3 =	vperm.xlane v3, v2  }
0x20b: {  	[tilespmem:s14], [sflag:$0x2] =	stream.indirect_vreg.gather [hbm4b:s7+s0], $0x80, v4, vm0, $0xb8;
	[tilespmem:$0x19000] =	vst v63  }
0x20c: {  	s18 =	simm.s32 $0x6000;
	v3 =	vadd.s32 v1, v3  }
0x20d: {  	[tilespmem:s18], [sflag:$0x2] =	stream.indirect_vreg.gather [hbm4b:s8+s0], $0x80, v4, vm0, $0xb8;
	[tilespmem:$0x19000] =	vst v63  }
0x20e: {  	s23 =	simm.s32 $0x6800  }
0x20f: {  	[tilespmem:s23], [sflag:$0x2] =	stream.indirect_vreg.gather [hbm4b:s9+s0], $0x80, v4, vm0, $0xb8;
	[tilespmem:$0x19000] =	vst v63  }
0x210: {  	s31 =	simm.s32 $0x7000  }
0x211: {  	[tilespmem:s31], [sflag:$0x2] =	stream.indirect_vreg.gather [hbm4b:s2+s0], $0x80, v3, vm0, $0xb8;
	[tilespmem:$0x19000] =	vst v63  }
0x212: {  	s5 =	simm.s32 $0x7800  }
0x213: {  	[tilespmem:s5], [sflag:$0x2] =	stream.indirect_vreg.gather [hbm4b:s7+s0], $0x80, v3, vm0, $0xb8;
	[tilespmem:$0x19000] =	vst v63  }
0x214: {  	s10 =	simm.s32 $0x8000;
	s18 =	simm.s32 $0x0  }
0x215: {  	[tilespmem:s10], [sflag:$0x2] =	stream.indirect_vreg.gather [hbm4b:s8+s0], $0x80, v3, vm0, $0xb8;
	[tilespmem:$0x19000] =	vst v63  }
0x216: {  	s14 =	simm.s32 $0x8800;
	s4 =	sand.u32 $0x2000, s18  }
0x217: {  	[tilespmem:s14], [sflag:$0x2] =	stream.indirect_vreg.gather [hbm4b:s9+s0], $0x80, v3, vm0, $0xb8;
	[tilespmem:$0x19000] =	vst v63  }
0x218: {  	s23 =	simm.s32 $0x0;
	s5 =	sand.u32 $0x1C00, s0;
	_ =	swait.ge [sflag:s13], $0x4000  }
0x219: {  	s31 =	sand.u32 $0x380, s23;
	s4 =	sor.u32 s5, s4;
	[sflag:s13] =	ssyncset.done $0x0  }
0x21a: {  	s10 =	sor.u32 s31, s4;
	[sflag:s13] =	ssyncadd.s32 $0xFFFFC000  }
0x21b: {  	v3 =	vld [tilespmem:s10+$0x15070]  }
0x21c: {  	v8 =	vld [tilespmem:s10+$0x15000]  }
0x21d: {  	v9 =	vld [tilespmem:s10+$0x15010]  }
0x21e: {  	v7 =	vld [tilespmem:s10+$0x15020]  }
0x21f: {  	v6 =	vld [tilespmem:s10+$0x15030]  }
0x220: {  	v5 =	vld [tilespmem:s10+$0x15040]  }
0x221: {  	v4 =	vld [tilespmem:s10+$0x15050]  }
0x222: {  	[tilespmem:s10+$0xD070] =	vst.add.f32.msk $0xffff, v3  }
0x223: {  	v3 =	vld [tilespmem:s10+$0x15060]  }
0x224: {  	[tilespmem:s10+$0xD000] =	vst.add.f32.msk $0xffff, v8  }
0x225: {  	s4 =	simm.s32 $0x0;
	[tilespmem:s10+$0xD010] =	vst.add.f32.msk $0xffff, v9  }
.LBB2_17:
0x226: {  	s4 =	sadd.s32 $0x8, s4;
	[tilespmem:s10+$0xD020] =	vst.add.f32.msk $0xffff, v7  }
0x227: {  	s0 =	sadd.s32 $0x400, s0;
	s5 =	sshll.u32 s4, $0x4;
	p0 =	slt.u32 s4, $0x3F8;
	[tilespmem:s10+$0xD030] =	vst.add.f32.msk $0xffff, v6  }
0x228: {  	s14 =	sand.u32 $0x1C00, s0;
	s18 =	sshll.u32 s4, $0x1;
	s5 =	sand.u32 $0x2000, s5;
	[tilespmem:s10+$0xD040] =	vst.add.f32.msk $0xffff, v5  }
0x229: {  	s5 =	sor.u32 s14, s5;
	s14 =	sand.u32 $0x380, s18;
	[tilespmem:s10+$0xD050] =	vst.add.f32.msk $0xffff, v4  }
0x22a: {  	[tilespmem:s10+$0xD060] =	vst.add.f32.msk $0xffff, v3;
	s10 =	sor.u32 s14, s5  }
0x22b: {  	v3 =	vld [tilespmem:s10+$0x15070]  }
0x22c: {  	v8 =	vld [tilespmem:s10+$0x15000]  }
0x22d: {  	v9 =	vld [tilespmem:s10+$0x15010]  }
0x22e: {  	v7 =	vld [tilespmem:s10+$0x15020]  }
0x22f: {  	v6 =	vld [tilespmem:s10+$0x15030]  }
0x230: {  	[tilespmem:s10+$0xD070] =	vst.add.f32.msk $0xffff, v3  }
.Ltmp7:
0x231: {  	v5 =	vld [tilespmem:s10+$0x15040];
	(pc) =	sbr.rel @p0 .LBB2_17-.Ltmp7, $4  }
0x232: {  	v4 =	vld [tilespmem:s10+$0x15050]  }
0x233: {  	v3 =	vld [tilespmem:s10+$0x15060]  }
0x234: {  	[tilespmem:s10+$0xD000] =	vst.add.f32.msk $0xffff, v8  }
0x235: {  	[tilespmem:s10+$0xD010] =	vst.add.f32.msk $0xffff, v9  }
0x236: {  	[tilespmem:s10+$0xD020] =	vst.add.f32.msk $0xffff, v7  }
0x237: {  	[tilespmem:s10+$0xD030] =	vst.add.f32.msk $0xffff, v6  }
0x238: {  	[tilespmem:s10+$0xD040] =	vst.add.f32.msk $0xffff, v5;
	s0 =	sadd.s32 s16, s24;
	s22 =	sadd.s32 $0x1, s22  }
0x239: {  	s4 =	simm.s32 $0x0;
	[tilespmem:s10+$0xD050] =	vst.add.f32.msk $0xffff, v4;
	s0 =	sshll.u32 s0, $0x7;
	p0 =	sne.s32 s22, $0x4  }
.Ltmp8:
0x23a: {  	s30 =	smin.u32 s30, $0x4;
	[tilespmem:s10+$0xD060] =	vst.add.f32.msk $0xffff, v3;
	s0 =	sadd.s32 s3, s0;
	(pc) =	sbr.rel @p0 .LBB2_2-.Ltmp8, $4  }
0x23b: {  	[hbm4b:s0+s4] =	stream.linear.scatter [tilespmem:s15], [sflag:$0x8], $0x4000, $0x38;
	[tilespmem:$0x19000] =	vst v63  }
0x23c: {  	s0 =	sshll.u32 s30, $0xB;
	s5 =	rddreg [dreg:$0xb]  }
0x23d: {  	s31 =	simm.s32 $0x15000;
	s0 =	sadd.s32 s0, s5  }
0x23e: {  	[tilespmem:s31], [sflag:$0xA] =	stream.linear.gather [hbm4b:s0+s4], $0x4000, $0x38;
	[tilespmem:$0x19000] =	vst v63  }
0x23f: {  	_ =	swait.ge [sflag:s28], $0x4000  }
0x240: {  	[sflag:s28] =	ssyncset.done $0x0  }
0x241: {  	s0 =	simm.s32 $0x9;
	[sflag:s28] =	ssyncadd.s32 $0xFFFFC000  }
0x242: {  	_ =	swait.ge [sflag:s0], $0x4000  }
0x243: {  	[sflag:s0] =	ssyncset.done $0x0  }
0x244: {  	[sflag:s0] =	ssyncadd.s32 $0xFFFFC000  }
0x245: {  	_ =	swait.ge [sflag:s1], $0x4000  }
0x246: {  	[sflag:s1] =	ssyncset.done $0x0  }
0x247: {  	s30 =	simm.s32 $0xA;
	[sflag:s1] =	ssyncadd.s32 $0xFFFFC000  }
0x248: {  	_ =	swait.ge [sflag:s30], $0x4000  }
0x249: {  	[sflag:s30] =	ssyncset.done $0x0  }
0x24a: {  	[sflag:s30] =	ssyncadd.s32 $0xFFFFC000  }
0x24b: {  	_ =	swait.ge [sflag:s17], $0x4000  }
0x24c: {  	[sflag:s17] =	ssyncset.done $0x0  }
0x24d: {  	[sflag:s17] =	ssyncadd.s32 $0xFFFFC000  }
0x24e: {  	_ =	swait.ge [sflag:s21], $0x4000  }
0x24f: {  	s4 =	rddreg [dreg:$0xd]  }
0x250: {  	s31 =	rddreg [dreg:$0xc];
	s4 =	sadd.s32 $0x1, s4  }
0x251: {  	p0 =	sne.s32 s4, s31  }
.Ltmp9:
0x252: {  	_ = 	snop;
	(pc) =	sbr.rel @p0 .LBB2_1-.Ltmp9, $3  }
0x253: {  	_ =	sdelay $0x1  }
0x254: {  	[sflag:s21] =	ssyncset.done $0x0  }
0x255: {  	[sflag:s21] =	ssyncadd.s32 $0xFFFFC000  }
0x256: {  	_ =	sfence.sel $0x180000  }
0x257: {  	[bflag:$0x0] =	sbarrier.arrive $0xFFFF  }
0x258: {  	_ =	strace $0x90000047  }
0x259: {  	s0 =	stileid.u32;
	[bflag:$0x2] =	sbarrier.arrive $0xFFFF  }
0x25a: {  	p0 =	sne.s32 s0, $0x0;
	s0 =	rddreg [dreg:$0x4]  }
0x25b: {  	s0 =	sadd.s32 @!p0 $0x100000, s0  }
0x25c: {  	[sflag:s0] =	ssyncadd.tile.s32 @!p0 $0x1;
	_ =	shalt  }
.Lfunc_end2:
_tile_overlayer_lowered:
.L_overlay_start_2:
0x25d: {  	(tag) =	ssettag $0x2  }
0x25e: {  	s0 =	rddreg [dreg:$0x0];
	s2 =	stileid.u32  }
0x25f: {  	s1 =	rddreg [dreg:$0x1];
	p0 =	sne.s32 s2, $0x0  }
0x260: {  	s3 =	rddreg [dreg:$0x2];
	[bflag:$0x3] =	sbarrier.arrive $0xFFFF;
	s2 =	simm.s32 @!p0 $0x1C0B  }
0x261: {  	[timem:s3], [sflag:s2] =	dma.local @!p0 [hbm:s0], s1  }
0x262: {  	s0 =	simm.s32 @!p0 $0xB  }
0x263: {  	_ =	swait.ge @!p0 [sflag:s0], s1  }
0x264: {  	s1 =	ssub.s32 @!p0 $0x0, s1;
	[sflag:s0] =	ssyncset.done @!p0 $0x0  }
0x265: {  	[sflag:s0] =	ssyncadd.s32 @!p0 s1  }
0x266: {  	[bflag:$0x3] =	sbarrier.arrive $0xFFFF  }
0x267: {  	_ =	shalt  }

</sc_bundles>
